<compile_context>
chip_gen: v7x
topology: tpu7x:2x2x1
jax: 0.10.2.dev20260603
libtpu: 0.0.44.dev20260713+nightly
codegen_flags: <defaults>
</compile_context>

<pallas_src>
import functools

import jax
import jax.numpy as jnp
from jax import lax
from jax.experimental import pallas as pl
from jax.experimental.pallas import tpu as pltpu
from jax.experimental.pallas import tpu_sc as plsc

N = 50000
E = 800000
FEAT = 128

NC, NS, L = 2, 16, 16
NW = NC * NS
EW = 25600
EPAD = NW * EW
CHUNK = 1280
NCHUNK = EW // CHUNK
NSUB = CHUNK // 128
NVREG = CHUNK // L
HALF = 25088
NPAD = 2 * HALF
TROWS = HALF // NS
TWORDS = TROWS * 4
HWORDS = HALF * 4


def _dense_body(xf_ref, xfb_ref, xt_ref, pf_ref, pfb_ref, q_ref, r_ref,
                c_ref, bv_ref, base_ref):
    xf = xf_ref[...]
    xfb = xfb_ref[...]
    xt = xt_ref[...]
    spa4 = xt[:, 0:4]
    last = xt[:, 4:5]
    idx = jnp.minimum(last - 1.0, 2.0).astype(jnp.int32)
    hi = jax.lax.Precision.HIGHEST
    out6 = jnp.dot(xf, pf_ref[...], preferred_element_type=jnp.float32,
                   precision=hi)
    out6 += jnp.dot(xfb, pfb_ref[...], preferred_element_type=jnp.float32,
                    precision=hi)
    out6 += jnp.dot(spa4, r_ref[...], preferred_element_type=jnp.float32,
                    precision=hi)
    for k in range(3):
        out6 += jnp.where(idx == k, 1.0, 0.0) * q_ref[k:k + 1, :]
    out6 += c_ref[...]
    bv_ref[...] = out6[:, 0:4]
    base_ref[...] = out6[:, 4:6]


def _dense_call(x, pf, pfb, q, r, c):
    bn = 1024
    grid = (pl.cdiv(N, bn),)
    return pl.pallas_call(
        _dense_body,
        grid=grid,
        in_specs=[
            pl.BlockSpec((bn, FEAT), lambda i: (i, 0)),
            pl.BlockSpec((bn, FEAT), lambda i: (i, 1)),
            pl.BlockSpec((bn, FEAT), lambda i: (i, 7)),
            pl.BlockSpec((FEAT, 6), lambda i: (0, 0)),
            pl.BlockSpec((FEAT, 6), lambda i: (0, 0)),
            pl.BlockSpec((3, 6), lambda i: (0, 0)),
            pl.BlockSpec((4, 6), lambda i: (0, 0)),
            pl.BlockSpec((1, 6), lambda i: (0, 0)),
        ],
        out_specs=[
            pl.BlockSpec((bn, 4), lambda i: (i, 0)),
            pl.BlockSpec((bn, 2), lambda i: (i, 0)),
        ],
        out_shape=[
            jax.ShapeDtypeStruct((N, 4), jnp.float32),
            jax.ShapeDtypeStruct((N, 2), jnp.float32),
        ],
    )(x, x, x, pf, pfb, q, r, c)


def _edge_body(dst_ref, attr_ref, dstm_ref):
    i = pl.program_id(0)
    d = dst_ref[...]
    a = attr_ref[...]
    rows = lax.broadcasted_iota(jnp.int32, d.shape, 0) + i * d.shape[0]
    cols = lax.broadcasted_iota(jnp.int32, d.shape, 1)
    e = rows * 128 + cols
    keep = (e < E) & ((a == 0) | (a == 111))
    dstm_ref[...] = jnp.where(keep, d, N)


def _edge_call(dst2d, attr2d):
    bn = 256
    rows_out = EPAD // 128
    grid = (rows_out // bn,)
    return pl.pallas_call(
        _edge_body,
        grid=grid,
        in_specs=[
            pl.BlockSpec((bn, 128), lambda i: (i, 0)),
            pl.BlockSpec((bn, 128), lambda i: (i, 0)),
        ],
        out_specs=pl.BlockSpec((bn, 128), lambda i: (i, 0)),
        out_shape=jax.ShapeDtypeStruct((rows_out, 128), jnp.int32),
    )(dst2d, attr2d)


def _sc_body(src_hbm, dstm_hbm, bvflat_hbm, out_hbm,
             srcv, dstv, ia, ib, va, vb, maxtab, sem):
    c = lax.axis_index("c")
    s = lax.axis_index("s")
    w = s * NC + c
    ebase = w * EW
    neginf = jnp.full((L,), -jnp.inf, dtype=jnp.float32)

    for p in range(2):
        offA = (2 * p) * N
        offB = (2 * p + 1) * N

        def init_body(k, _):
            maxtab[pl.ds(k * L, L)] = neginf
            return _
        lax.fori_loop(0, 2 * NPAD // L, init_body, None)

        def chunk_body(ch, _):
            cb = ebase + ch * CHUNK
            pltpu.sync_copy(src_hbm.at[pl.ds(cb, CHUNK)], srcv)
            pltpu.sync_copy(dstm_hbm.at[pl.ds(cb, CHUNK)], dstv)

            def idx_body(v, _):
                sl = pl.ds(v * L, L)
                s16 = srcv[sl]
                ia[sl] = s16 + offA
                ib[sl] = s16 + offB
                return _
            lax.fori_loop(0, NVREG, idx_body, None)

            h1 = pltpu.async_copy(bvflat_hbm.at[ia], va, sem)
            h2 = pltpu.async_copy(bvflat_hbm.at[ib], vb, sem)
            h1.wait()
            h2.wait()

            def vreg_body(v, _):
                sl = pl.ds(v * L, L)
                dst = dstv[sl]
                m = dst < N
                loc2 = jnp.where(m, dst * 2, 0)
                vA = va[sl]
                vB = vb[sl]

                def fix_cond(act):
                    return jnp.any(act)

                def fix_body(act):
                    oldA = plsc.load_gather(maxtab, [loc2], mask=act)
                    wrA = act & (vA > oldA)
                    plsc.store_scatter(maxtab, [loc2], vA, mask=wrA)
                    oldB = plsc.load_gather(maxtab, [loc2 + 1], mask=act)
                    wrB = act & (vB > oldB)
                    plsc.store_scatter(maxtab, [loc2 + 1], vB, mask=wrB)
                    return wrA | wrB

                lax.while_loop(fix_cond, fix_body, m)
                return _
            lax.fori_loop(0, NVREG, vreg_body, None)
            return _
        lax.fori_loop(0, NCHUNK, chunk_body, None)

        pltpu.sync_copy(maxtab, out_hbm.at[w, pl.ds(p * 2 * NPAD, 2 * NPAD)])


@functools.cache
def _sc_call():
    return pl.kernel(
        _sc_body,
        out_type=jax.ShapeDtypeStruct((NW, 2 * HWORDS), jnp.float32),
        mesh=plsc.VectorSubcoreMesh(core_axis_name="c", subcore_axis_name="s",
                                    num_cores=NC, num_subcores=NS),
        compiler_params=pltpu.CompilerParams(needs_layout_passes=False),
        scratch_types=(
            [pltpu.VMEM((CHUNK,), jnp.int32) for _ in range(4)]
            + [pltpu.VMEM((CHUNK,), jnp.float32) for _ in range(2)]
            + [
                pltpu.VMEM((2 * NPAD,), jnp.float32),
                pltpu.SemaphoreType.DMA,
            ]
        ),
    )


def _reduce_body(p_ref, mx_ref):
    mx_ref[...] = jnp.max(p_ref[...], axis=0)


def _reduce_call(partials):
    rows = NPAD * 4 // 128
    bm = 224
    grid = (rows // bm,)
    return pl.pallas_call(
        _reduce_body,
        grid=grid,
        in_specs=[pl.BlockSpec((NW, bm, 128), lambda i: (0, i, 0))],
        out_specs=pl.BlockSpec((bm, 128), lambda i: (i, 0)),
        out_shape=jax.ShapeDtypeStruct((rows, 128), jnp.float32),
    )(partials)


def _combine_body(mx01_ref, mx23_ref, base_ref, out_ref):
    mx01 = mx01_ref[...]
    mx23 = mx23_ref[...]
    empty = mx01[:, 0:1] == -jnp.inf
    val = base_ref[...] + mx01 + mx23
    out_ref[...] = jnp.where(empty, 0.0, val)


def _combine_call(mx01, mx23, base):
    bn = 2048
    grid = (pl.cdiv(N, bn),)
    return pl.pallas_call(
        _combine_body,
        grid=grid,
        in_specs=[
            pl.BlockSpec((bn, 2), lambda i: (i, 0)),
            pl.BlockSpec((bn, 2), lambda i: (i, 0)),
            pl.BlockSpec((bn, 2), lambda i: (i, 0)),
        ],
        out_specs=pl.BlockSpec((bn, 2), lambda i: (i, 0)),
        out_shape=jax.ShapeDtypeStruct((N, 2), jnp.float32),
    )(mx01, mx23, base)


def kernel(x, edge_index, edge_attr, spk_W, spk_b, spa_W, spa_b,
           f_fc1_W, f_fc1_b, f_fc2_W, f_fc2_b, f_mlp_W, f_mlp_b,
           fb_fc1_W, fb_fc1_b, fb_fc2_W, fb_fc2_b, fb_mlp_W, fb_mlp_b):
    def mm(a, b):
        return jnp.dot(a, b, precision=jax.lax.Precision.HIGHEST,
                       preferred_element_type=jnp.float32)

    def fold(fc1_W, fc1_b, fc2_W, fc2_b, mlp_W):
        W = fc1_W + fc2_W[:FEAT]
        S = mm(spk_W, fc2_W[FEAT:FEAT + 16])
        A = mm(spa_W, fc2_W[FEAT + 16:FEAT + 32])
        cv = fc1_b + fc2_b + mm(spk_b, fc2_W[FEAT:FEAT + 16]) \
            + mm(spa_b, fc2_W[FEAT + 16:FEAT + 32])
        G = mlp_W[:64] - mlp_W[64:]
        B = mlp_W[64:]
        return W, S, A, cv, G, B

    Wf, Sf, Af, cf, Gf, Bf = fold(f_fc1_W, f_fc1_b, f_fc2_W, f_fc2_b, f_mlp_W)
    Wb, Sb, Ab, cb, Gb, Bb = fold(fb_fc1_W, fb_fc1_b, fb_fc2_W, fb_fc2_b,
                                  fb_mlp_W)
    z2 = jnp.zeros((FEAT, 2), jnp.float32)
    pf = jnp.concatenate([mm(Wf, Bf), z2, mm(Wf, Gf)], axis=1)
    pfb = jnp.concatenate([z2, mm(Wb, Bb), mm(Wb, Gb)], axis=1)
    q = jnp.concatenate([mm(Sf, Bf), mm(Sb, Bb), mm(Sf, Gf) + mm(Sb, Gb)],
                        axis=1)
    r = jnp.concatenate([mm(Af, Bf), mm(Ab, Bb), mm(Af, Gf) + mm(Ab, Gb)],
                        axis=1)
    c6 = jnp.concatenate([mm(cf, Bf), mm(cb, Bb),
                          mm(cf, Gf) + mm(cb, Gb) + f_mlp_b + fb_mlp_b])[None, :]

    bv4, base = _dense_call(x, pf, pfb, q, r, c6)

    src = edge_index[0]
    dst = edge_index[1]
    pad = jnp.arange(EPAD - E, dtype=jnp.int32) % N
    src_pad = jnp.concatenate([src, pad])
    dst2d = jnp.concatenate([dst, pad]).reshape(EPAD // 128, 128)
    attr2d = jnp.concatenate(
        [edge_attr, jnp.ones((EPAD - E,), jnp.int32)]).reshape(EPAD // 128, 128)
    dstm = _edge_call(dst2d, attr2d).reshape(EPAD)

    bvflat = bv4.T.reshape(4 * N)
    partials = _sc_call()(src_pad, dstm, bvflat).reshape(NW, NPAD * 4 // 128,
                                                         128)
    mx = _reduce_call(partials).reshape(2, NPAD, 2)
    return _combine_call(mx[0], mx[1], base)

# --- scband reference (transcript-rebuilt; emitter-appended) ---
"""Pipeline reference for scband-spell-bak0827-53953379173218 (READ-ONLY COPY).

The authoritative reference and input builder live on the scoring server;
editing this copy changes nothing except your own understanding.
"""

import jax, jax.numpy as jnp
import numpy as np

N = 50000
E = 800000
FEAT_DIM = 128
X_DIM = 7 * FEAT_DIM + 5


def _linear(x, W, b):
    return x @ W + b


def _edgeconv(x, edge_index, W, b, n_nodes):
    # PyG EdgeConv: message = nn(cat([x_i, x_j - x_i])), aggr='max' onto target node i
    src = edge_index[0]
    dst = edge_index[1]
    x_i = x[dst]
    x_j = x[src]
    m = _linear(jnp.concatenate([x_i, x_j - x_i], axis=1), W, b)
    out = jax.ops.segment_max(m, dst, num_segments=n_nodes)
    # PyG fills empty segments with 0, jax segment_max fills with -inf
    return jnp.where(jnp.isneginf(out), 0.0, out)


def _feat_trans(feat, spk, spa, ei, fc1_W, fc1_b, fc2_W, fc2_b, mlp_W, mlp_b):
    x1 = _linear(feat, fc1_W, fc1_b)
    x2 = _linear(jnp.concatenate([feat, spk, spa], axis=1), fc2_W, fc2_b)
    h = x1 + x2
    return _edgeconv(h, ei, mlp_W, mlp_b, feat.shape[0])


def setup_inputs(seed: int = 0):
    key = jax.random.key(seed)
    ks = jax.random.split(key, 24)

    def p(i, shape, scale=0.05):
        return jax.random.normal(ks[i], shape, dtype=jnp.float32) * scale

    return {
        "x": jax.random.uniform(ks[0], (N, X_DIM), dtype=jnp.float32),
        "edge_index": jax.random.randint(ks[1], (2, E), 0, N, dtype=jnp.int32),
        "edge_attr": jax.random.randint(ks[2], (E,), 0, 2, dtype=jnp.int32),
        "spk_W": p(3, (3, 16)), "spk_b": p(4, (16,)),
        "spa_W": p(5, (4, 16)), "spa_b": p(6, (16,)),
        "f_fc1_W": p(7, (FEAT_DIM, 64)), "f_fc1_b": p(8, (64,)),
        "f_fc2_W": p(9, (FEAT_DIM + 32, 64)), "f_fc2_b": p(10, (64,)),
        "f_mlp_W": p(11, (128, 2)), "f_mlp_b": p(12, (2,)),
        "fb_fc1_W": p(13, (FEAT_DIM, 64)), "fb_fc1_b": p(14, (64,)),
        "fb_fc2_W": p(15, (FEAT_DIM + 32, 64)), "fb_fc2_b": p(16, (64,)),
        "fb_mlp_W": p(17, (128, 2)), "fb_mlp_b": p(18, (2,)),
    }


def reference(x, edge_index, edge_attr, spk_W, spk_b, spa_W, spa_b,
              f_fc1_W, f_fc1_b, f_fc2_W, f_fc2_b, f_mlp_W, f_mlp_b,
              fb_fc1_W, fb_fc1_b, fb_fc2_W, fb_fc2_b, fb_mlp_W, fb_mlp_b):
    mask = (edge_attr == 111) | (edge_attr == 0)
    ei = jnp.where(mask[None, :], edge_index, x.shape[0])
    x_face = x[:, :FEAT_DIM]
    x_face_body = x[:, FEAT_DIM:2 * FEAT_DIM]
    spk_idx = jnp.clip(x[:, -1] - 1.0, None, 2.0).astype(jnp.int32)
    spk = jax.nn.one_hot(spk_idx, 3, dtype=jnp.float32)
    spk = _linear(spk, spk_W, spk_b)
    spa = _linear(x[:, -5:-1], spa_W, spa_b)
    xf = _feat_trans(x_face, spk, spa, ei, f_fc1_W, f_fc1_b, f_fc2_W, f_fc2_b, f_mlp_W, f_mlp_b)
    xfb = _feat_trans(x_face_body, spk, spa, ei, fb_fc1_W, fb_fc1_b, fb_fc2_W, fb_fc2_b, fb_mlp_W, fb_mlp_b)
    return xf + xfb

if __name__ == "__main__":
    import jax
    _d = setup_inputs()
    print(jax.jit(kernel)(*tuple(_d.values())))

</pallas_src>

<mosaic_0001>
#map = affine_map<(d0, d1) -> (0)>
#map1 = affine_map<(d0, d1) -> (0, 0)>
module attributes {stable_mosaic.version = 14 : i64} {
  func.func @_sc_body(%arg0: i32, %arg1: i32, %arg2: memref<819200xi32, #tpu.memory_space<hbm>>, %arg3: memref<819200xi32, #tpu.memory_space<hbm>>, %arg4: memref<200000xf32, #tpu.memory_space<hbm>>, %arg5: memref<32x200704xf32, #tpu.memory_space<hbm>>, %arg6: memref<1280xi32, #tpu.memory_space<vmem>>, %arg7: memref<1280xi32, #tpu.memory_space<vmem>>, %arg8: memref<1280xi32, #tpu.memory_space<vmem>>, %arg9: memref<1280xi32, #tpu.memory_space<vmem>>, %arg10: memref<1280xf32, #tpu.memory_space<vmem>>, %arg11: memref<1280xf32, #tpu.memory_space<vmem>>, %arg12: memref<100352xf32, #tpu.memory_space<vmem>>, %arg13: memref<!tpu.dma_semaphore, #tpu.memory_space<semaphore_mem>>) attributes {dimension_semantics = [#tpu.dimension_semantics<core_parallel>, #tpu.dimension_semantics<subcore_parallel>], iteration_bounds = array<i64: 2, 16>, scalar_prefetch = 0 : i64, scratch_operands = 8 : i64, tpu.core_type = #tpu.core_type<sc_vector_subcore>, window_params = [{transform_indices = #map}, {transform_indices = #map}, {transform_indices = #map}, {transform_indices = #map1}]} {
    %mul3A = arith.constant 2 : i32
    %mul3A_0 = arith.muli %arg1, %mul3A : i32
    %add3A = arith.addi %mul3A_0, %arg0 : i32
    %mul3A_1 = arith.constant 25600 : i32
    %mul3A_2 = arith.muli %add3A, %mul3A_1 : i32
    %broadcast_in_dim3A = arith.constant 0xFF800000 : f32
    %broadcast_in_dim3A_3 = vector.broadcast %broadcast_in_dim3A : f32 to vector<16xf32>
    %scan3A = arith.constant 0 : i32
    %scan3A_4 = arith.constant 6272 : i32
    %scan3A_5 = arith.addi %scan3A, %scan3A_4 : i32
    %scan3A_6 = arith.constant 1 : i32
    scf.for %scan3A_23 = %scan3A to %scan3A_5 step %scan3A_6  : i32 {
      %mul3A_24 = arith.constant 16 : i32
      %mul3A_25 = arith.muli %scan3A_23, %mul3A_24 : i32
      %swap3A = arith.index_cast %mul3A_25 : i32 to index
      %swap3A_26 = tpu.vector_load %arg12[%swap3A] {strides = array<i32>} : memref<100352xf32, #tpu.memory_space<vmem>>, vector<16xf32>,
      tpu.vector_store %arg12[%swap3A], %broadcast_in_dim3A_3 {strides = array<i32>} : memref<100352xf32, #tpu.memory_space<vmem>>, vector<16xf32>,
    }
    %scan3A_7 = arith.constant 6272 : i32
    %scan3A_8 = arith.constant 0 : i32
    %scan3A_9 = arith.constant 20 : i32
    %scan3A_10 = arith.addi %scan3A_8, %scan3A_9 : i32
    %scan3A_11 = arith.constant 1 : i32
    scf.for %scan3A_23 = %scan3A_8 to %scan3A_10 step %scan3A_11  : i32 {
      %mul3A_24 = arith.constant 1280 : i32
      %mul3A_25 = arith.muli %scan3A_23, %mul3A_24 : i32
      %add3A_26 = arith.addi %mul3A_2, %mul3A_25 : i32
      "tpu.region"() ({
        %run_scoped3A = tpu.sem_alloc : memref<!tpu.dma_semaphore, #tpu.memory_space<semaphore_mem>>
        %dma_start3A_43 = tpu.memref_slice %arg2[%add3A_26] : memref<819200xi32, #tpu.memory_space<hbm>> -> memref<1280xi32, #tpu.memory_space<hbm>>
        %dma_start3A_44 = tpu.memref_slice %arg2[%add3A_26] : memref<819200xi32, #tpu.memory_space<hbm>> -> memref<1280xi32, #tpu.memory_space<hbm>>
        tpu.enqueue_dma source(%dma_start3A_44 : memref<1280xi32, #tpu.memory_space<hbm>>) target(%arg6 : memref<1280xi32, #tpu.memory_space<vmem>>) target_semaphore(%run_scoped3A : memref<!tpu.dma_semaphore, #tpu.memory_space<semaphore_mem>>)
        %dma_wait3A_45 = tpu.memref_slice %arg2[%add3A_26] : memref<819200xi32, #tpu.memory_space<hbm>> -> memref<1280xi32, #tpu.memory_space<hbm>>
        %dma_wait3A_46 = tpu.memref_slice %arg2[%add3A_26] : memref<819200xi32, #tpu.memory_space<hbm>> -> memref<1280xi32, #tpu.memory_space<hbm>>
        tpu.wait_dma2 semaphore(%run_scoped3A : memref<!tpu.dma_semaphore, #tpu.memory_space<semaphore_mem>>) src(%dma_wait3A_46 : memref<1280xi32, #tpu.memory_space<hbm>>) dst(%arg6 : memref<1280xi32, #tpu.memory_space<vmem>>)
        tpu.yield
      }) : () -> ()
      "tpu.region"() ({
        %run_scoped3A = tpu.sem_alloc : memref<!tpu.dma_semaphore, #tpu.memory_space<semaphore_mem>>
        %dma_start3A_43 = tpu.memref_slice %arg3[%add3A_26] : memref<819200xi32, #tpu.memory_space<hbm>> -> memref<1280xi32, #tpu.memory_space<hbm>>
        %dma_start3A_44 = tpu.memref_slice %arg3[%add3A_26] : memref<819200xi32, #tpu.memory_space<hbm>> -> memref<1280xi32, #tpu.memory_space<hbm>>
        tpu.enqueue_dma source(%dma_start3A_44 : memref<1280xi32, #tpu.memory_space<hbm>>) target(%arg7 : memref<1280xi32, #tpu.memory_space<vmem>>) target_semaphore(%run_scoped3A : memref<!tpu.dma_semaphore, #tpu.memory_space<semaphore_mem>>)
        %dma_wait3A_45 = tpu.memref_slice %arg3[%add3A_26] : memref<819200xi32, #tpu.memory_space<hbm>> -> memref<1280xi32, #tpu.memory_space<hbm>>
        %dma_wait3A_46 = tpu.memref_slice %arg3[%add3A_26] : memref<819200xi32, #tpu.memory_space<hbm>> -> memref<1280xi32, #tpu.memory_space<hbm>>
        tpu.wait_dma2 semaphore(%run_scoped3A : memref<!tpu.dma_semaphore, #tpu.memory_space<semaphore_mem>>) src(%dma_wait3A_46 : memref<1280xi32, #tpu.memory_space<hbm>>) dst(%arg7 : memref<1280xi32, #tpu.memory_space<vmem>>)
        tpu.yield
      }) : () -> ()
      %scan3A_27 = arith.constant 0 : i32
      %scan3A_28 = arith.constant 80 : i32
      %scan3A_29 = arith.addi %scan3A_27, %scan3A_28 : i32
      %scan3A_30 = arith.constant 1 : i32
      scf.for %scan3A_43 = %scan3A_27 to %scan3A_29 step %scan3A_30  : i32 {
        %mul3A_44 = arith.constant 16 : i32
        %mul3A_45 = arith.muli %scan3A_43, %mul3A_44 : i32
        %get3A = arith.index_cast %mul3A_45 : i32 to index
        %get3A_46 = tpu.vector_load %arg6[%get3A] {strides = array<i32>} : memref<1280xi32, #tpu.memory_space<vmem>>, vector<16xi32>,
        %add3A_47 = arith.constant 0 : i32
        %add3A_48 = vector.broadcast %add3A_47 : i32 to vector<16xi32>
        %add3A_49 = arith.addi %get3A_46, %add3A_48 : vector<16xi32>
        %swap3A = arith.index_cast %mul3A_45 : i32 to index
        %swap3A_50 = tpu.vector_load %arg8[%swap3A] {strides = array<i32>} : memref<1280xi32, #tpu.memory_space<vmem>>, vector<16xi32>,
        tpu.vector_store %arg8[%swap3A], %add3A_49 {strides = array<i32>} : memref<1280xi32, #tpu.memory_space<vmem>>, vector<16xi32>,
        %add3A_51 = arith.constant 50000 : i32
        %add3A_52 = vector.broadcast %add3A_51 : i32 to vector<16xi32>
        %add3A_53 = arith.addi %get3A_46, %add3A_52 : vector<16xi32>
        %swap3A_54 = arith.index_cast %mul3A_45 : i32 to index
        %swap3A_55 = tpu.vector_load %arg9[%swap3A_54] {strides = array<i32>} : memref<1280xi32, #tpu.memory_space<vmem>>, vector<16xi32>,
        tpu.vector_store %arg9[%swap3A_54], %add3A_53 {strides = array<i32>} : memref<1280xi32, #tpu.memory_space<vmem>>, vector<16xi32>,
      }
      %scan3A_31 = arith.constant 80 : i32
      %dma_start3A = arith.constant 0 : i32
      %dma_start3A_32 = tpu.memref_slice %arg4[%dma_start3A] : memref<200000xf32, #tpu.memory_space<hbm>> -> memref<200000xf32, #tpu.memory_space<hbm>>
      tpu.enqueue_indirect_dma source(%dma_start3A_32 : memref<200000xf32, #tpu.memory_space<hbm>>) target(%arg10 : memref<1280xf32, #tpu.memory_space<vmem>>) offsets(%arg8 : memref<1280xi32, #tpu.memory_space<vmem>>) semaphore(%arg13 : memref<!tpu.dma_semaphore, #tpu.memory_space<semaphore_mem>>)
      %dma_start3A_33 = arith.constant 0 : i32
      %dma_start3A_34 = tpu.memref_slice %arg4[%dma_start3A_33] : memref<200000xf32, #tpu.memory_space<hbm>> -> memref<200000xf32, #tpu.memory_space<hbm>>
      tpu.enqueue_indirect_dma source(%dma_start3A_34 : memref<200000xf32, #tpu.memory_space<hbm>>) target(%arg11 : memref<1280xf32, #tpu.memory_space<vmem>>) offsets(%arg9 : memref<1280xi32, #tpu.memory_space<vmem>>) semaphore(%arg13 : memref<!tpu.dma_semaphore, #tpu.memory_space<semaphore_mem>>)
      %dma_wait3A = arith.constant 0 : i32
      %dma_wait3A_35 = tpu.memref_slice %arg4[%dma_wait3A] : memref<200000xf32, #tpu.memory_space<hbm>> -> memref<200000xf32, #tpu.memory_space<hbm>>
      tpu.wait_indirect_dma semaphore(%arg13 : memref<!tpu.dma_semaphore, #tpu.memory_space<semaphore_mem>>) src(%dma_wait3A_35 : memref<200000xf32, #tpu.memory_space<hbm>>) dst(%arg10 : memref<1280xf32, #tpu.memory_space<vmem>>)
      %dma_wait3A_36 = arith.constant 0 : i32
      %dma_wait3A_37 = tpu.memref_slice %arg4[%dma_wait3A_36] : memref<200000xf32, #tpu.memory_space<hbm>> -> memref<200000xf32, #tpu.memory_space<hbm>>
      tpu.wait_indirect_dma semaphore(%arg13 : memref<!tpu.dma_semaphore, #tpu.memory_space<semaphore_mem>>) src(%dma_wait3A_37 : memref<200000xf32, #tpu.memory_space<hbm>>) dst(%arg11 : memref<1280xf32, #tpu.memory_space<vmem>>)
      %scan3A_38 = arith.constant 0 : i32
      %scan3A_39 = arith.constant 80 : i32
      %scan3A_40 = arith.addi %scan3A_38, %scan3A_39 : i32
      %scan3A_41 = arith.constant 1 : i32
      scf.for %scan3A_43 = %scan3A_38 to %scan3A_40 step %scan3A_41  : i32 {
        %mul3A_44 = arith.constant 16 : i32
        %mul3A_45 = arith.muli %scan3A_43, %mul3A_44 : i32
        %get3A = arith.index_cast %mul3A_45 : i32 to index
        %get3A_46 = tpu.vector_load %arg7[%get3A] {strides = array<i32>} : memref<1280xi32, #tpu.memory_space<vmem>>, vector<16xi32>,
        %lt3A = arith.constant 50000 : i32
        %lt3A_47 = vector.broadcast %lt3A : i32 to vector<16xi32>
        %lt3A_48 = arith.cmpi slt, %get3A_46, %lt3A_47 : vector<16xi32>
        %mul3A_49 = arith.constant 2 : i32
        %mul3A_50 = vector.broadcast %mul3A_49 : i32 to vector<16xi32>
        %mul3A_51 = arith.muli %get3A_46, %mul3A_50 : vector<16xi32>
        %jit3A = arith.constant 0 : i32
        %broadcast_in_dim3A_52 = vector.broadcast %jit3A : i32 to vector<16xi32>
        %select_n3A = arith.select %lt3A_48, %mul3A_51, %broadcast_in_dim3A_52 : vector<16xi1>, vector<16xi32>
        %get3A_53 = arith.index_cast %mul3A_45 : i32 to index
        %get3A_54 = tpu.vector_load %arg10[%get3A_53] {strides = array<i32>} : memref<1280xf32, #tpu.memory_space<vmem>>, vector<16xf32>,
        %get3A_55 = arith.index_cast %mul3A_45 : i32 to index
        %get3A_56 = tpu.vector_load %arg11[%get3A_55] {strides = array<i32>} : memref<1280xf32, #tpu.memory_space<vmem>>, vector<16xf32>,
        %while3A = scf.while (%while3A_57 = %lt3A_48) : (vector<16xi1>) -> vector<16xi1> {
          %reduce_or3A = arith.constant 1.000000e+00 : f32
          %reduce_or3A_58 = arith.constant 0.000000e+00 : f32
          %reduce_or3A_59 = vector.broadcast %reduce_or3A : f32 to vector<16xf32>
          %reduce_or3A_60 = vector.broadcast %reduce_or3A_58 : f32 to vector<16xf32>
          %reduce_or3A_61 = arith.select %while3A_57, %reduce_or3A_59, %reduce_or3A_60 : vector<16xi1>, vector<16xf32>
          %reduce_or3A_62 = arith.constant true
          %reduce_or3A_63 = vector.broadcast %reduce_or3A_62 : i1 to vector<16xi1>
          %reduce_or3A_64 = tpu.scan <max>, %reduce_or3A_61 masked %reduce_or3A_63 : vector<16xf32>, vector<16xi1> -> vector<16xf32>
          %reduce_or3A_65 = vector.extract %reduce_or3A_64[15] : f32 from vector<16xf32>
          %reduce_or3A_66 = arith.constant 0.000000e+00 : f32
          %reduce_or3A_67 = arith.cmpf ogt, %reduce_or3A_65, %reduce_or3A_66 : f32
          scf.condition(%reduce_or3A_67) %while3A_57 : vector<16xi1>
        } do {
        ^bb0(%while3A_57: vector<16xi1>):
          %gather3A = tpu.vector_load_idx %arg12[%select_n3A] masked %while3A_57 : memref<100352xf32, #tpu.memory_space<vmem>>[vector<16xi32>], vector<16xf32>, vector<16xi1>
          %gt3A = arith.cmpf ogt, %get3A_54, %gather3A : vector<16xf32>
          %and3A = arith.andi %while3A_57, %gt3A : vector<16xi1>
          tpu.vector_store_idx %arg12[%select_n3A], %get3A_54 masked %and3A : memref<100352xf32, #tpu.memory_space<vmem>>[vector<16xi32>], vector<16xf32>, vector<16xi1>
          %add3A_58 = arith.constant 1 : i32
          %add3A_59 = vector.broadcast %add3A_58 : i32 to vector<16xi32>
          %add3A_60 = arith.addi %select_n3A, %add3A_59 : vector<16xi32>
          %gather3A_61 = tpu.vector_load_idx %arg12[%add3A_60] masked %while3A_57 : memref<100352xf32, #tpu.memory_space<vmem>>[vector<16xi32>], vector<16xf32>, vector<16xi1>
          %gt3A_62 = arith.cmpf ogt, %get3A_56, %gather3A_61 : vector<16xf32>
          %and3A_63 = arith.andi %while3A_57, %gt3A_62 : vector<16xi1>
          %add3A_64 = arith.constant 1 : i32
          %add3A_65 = vector.broadcast %add3A_64 : i32 to vector<16xi32>
          %add3A_66 = arith.addi %select_n3A, %add3A_65 : vector<16xi32>
          tpu.vector_store_idx %arg12[%add3A_66], %get3A_56 masked %and3A_63 : memref<100352xf32, #tpu.memory_space<vmem>>[vector<16xi32>], vector<16xf32>, vector<16xi1>
          %or3A = arith.ori %and3A, %and3A_63 : vector<16xi1>
          scf.yield %or3A : vector<16xi1>
        }
      }
      %scan3A_42 = arith.constant 80 : i32
    }
    %scan3A_12 = arith.constant 20 : i32
    "tpu.region"() ({
      %run_scoped3A = tpu.sem_alloc : memref<!tpu.dma_semaphore, #tpu.memory_space<semaphore_mem>>
      %dma_start3A = arith.constant 0 : i32
      %dma_start3A_23 = tpu.memref_slice %arg5[%add3A, %dma_start3A] : memref<32x200704xf32, #tpu.memory_space<hbm>> -> memref<1x100352xf32, #tpu.memory_space<hbm>>
      %dma_start3A_24 = tpu.memref_squeeze %dma_start3A_23 : memref<1x100352xf32, #tpu.memory_space<hbm>> -> memref<100352xf32, #tpu.memory_space<hbm>>
      %dma_start3A_25 = arith.constant 0 : i32
      %dma_start3A_26 = tpu.memref_slice %arg5[%add3A, %dma_start3A_25] : memref<32x200704xf32, #tpu.memory_space<hbm>> -> memref<1x100352xf32, #tpu.memory_space<hbm>>
      %dma_start3A_27 = tpu.memref_squeeze %dma_start3A_26 : memref<1x100352xf32, #tpu.memory_space<hbm>> -> memref<100352xf32, #tpu.memory_space<hbm>>
      tpu.enqueue_dma source(%arg12 : memref<100352xf32, #tpu.memory_space<vmem>>) target(%dma_start3A_27 : memref<100352xf32, #tpu.memory_space<hbm>>) target_semaphore(%run_scoped3A : memref<!tpu.dma_semaphore, #tpu.memory_space<semaphore_mem>>)
      %dma_wait3A = arith.constant 0 : i32
      %dma_wait3A_28 = tpu.memref_slice %arg5[%add3A, %dma_wait3A] : memref<32x200704xf32, #tpu.memory_space<hbm>> -> memref<1x100352xf32, #tpu.memory_space<hbm>>
      %dma_wait3A_29 = tpu.memref_squeeze %dma_wait3A_28 : memref<1x100352xf32, #tpu.memory_space<hbm>> -> memref<100352xf32, #tpu.memory_space<hbm>>
      %dma_wait3A_30 = arith.constant 0 : i32
      %dma_wait3A_31 = tpu.memref_slice %arg5[%add3A, %dma_wait3A_30] : memref<32x200704xf32, #tpu.memory_space<hbm>> -> memref<1x100352xf32, #tpu.memory_space<hbm>>
      %dma_wait3A_32 = tpu.memref_squeeze %dma_wait3A_31 : memref<1x100352xf32, #tpu.memory_space<hbm>> -> memref<100352xf32, #tpu.memory_space<hbm>>
      tpu.wait_dma2 semaphore(%run_scoped3A : memref<!tpu.dma_semaphore, #tpu.memory_space<semaphore_mem>>) src(%arg12 : memref<100352xf32, #tpu.memory_space<vmem>>) dst(%dma_wait3A_32 : memref<100352xf32, #tpu.memory_space<hbm>>)
      tpu.yield
    }) : () -> ()
    %scan3A_13 = arith.constant 0 : i32
    %scan3A_14 = arith.constant 6272 : i32
    %scan3A_15 = arith.addi %scan3A_13, %scan3A_14 : i32
    %scan3A_16 = arith.constant 1 : i32
    scf.for %scan3A_23 = %scan3A_13 to %scan3A_15 step %scan3A_16  : i32 {
      %mul3A_24 = arith.constant 16 : i32
      %mul3A_25 = arith.muli %scan3A_23, %mul3A_24 : i32
      %swap3A = arith.index_cast %mul3A_25 : i32 to index
      %swap3A_26 = tpu.vector_load %arg12[%swap3A] {strides = array<i32>} : memref<100352xf32, #tpu.memory_space<vmem>>, vector<16xf32>,
      tpu.vector_store %arg12[%swap3A], %broadcast_in_dim3A_3 {strides = array<i32>} : memref<100352xf32, #tpu.memory_space<vmem>>, vector<16xf32>,
    }
    %scan3A_17 = arith.constant 6272 : i32
    %scan3A_18 = arith.constant 0 : i32
    %scan3A_19 = arith.constant 20 : i32
    %scan3A_20 = arith.addi %scan3A_18, %scan3A_19 : i32
    %scan3A_21 = arith.constant 1 : i32
    scf.for %scan3A_23 = %scan3A_18 to %scan3A_20 step %scan3A_21  : i32 {
      %mul3A_24 = arith.constant 1280 : i32
      %mul3A_25 = arith.muli %scan3A_23, %mul3A_24 : i32
      %add3A_26 = arith.addi %mul3A_2, %mul3A_25 : i32
      "tpu.region"() ({
        %run_scoped3A = tpu.sem_alloc : memref<!tpu.dma_semaphore, #tpu.memory_space<semaphore_mem>>
        %dma_start3A_43 = tpu.memref_slice %arg2[%add3A_26] : memref<819200xi32, #tpu.memory_space<hbm>> -> memref<1280xi32, #tpu.memory_space<hbm>>
        %dma_start3A_44 = tpu.memref_slice %arg2[%add3A_26] : memref<819200xi32, #tpu.memory_space<hbm>> -> memref<1280xi32, #tpu.memory_space<hbm>>
        tpu.enqueue_dma source(%dma_start3A_44 : memref<1280xi32, #tpu.memory_space<hbm>>) target(%arg6 : memref<1280xi32, #tpu.memory_space<vmem>>) target_semaphore(%run_scoped3A : memref<!tpu.dma_semaphore, #tpu.memory_space<semaphore_mem>>)
        %dma_wait3A_45 = tpu.memref_slice %arg2[%add3A_26] : memref<819200xi32, #tpu.memory_space<hbm>> -> memref<1280xi32, #tpu.memory_space<hbm>>
        %dma_wait3A_46 = tpu.memref_slice %arg2[%add3A_26] : memref<819200xi32, #tpu.memory_space<hbm>> -> memref<1280xi32, #tpu.memory_space<hbm>>
        tpu.wait_dma2 semaphore(%run_scoped3A : memref<!tpu.dma_semaphore, #tpu.memory_space<semaphore_mem>>) src(%dma_wait3A_46 : memref<1280xi32, #tpu.memory_space<hbm>>) dst(%arg6 : memref<1280xi32, #tpu.memory_space<vmem>>)
        tpu.yield
      }) : () -> ()
      "tpu.region"() ({
        %run_scoped3A = tpu.sem_alloc : memref<!tpu.dma_semaphore, #tpu.memory_space<semaphore_mem>>
        %dma_start3A_43 = tpu.memref_slice %arg3[%add3A_26] : memref<819200xi32, #tpu.memory_space<hbm>> -> memref<1280xi32, #tpu.memory_space<hbm>>
        %dma_start3A_44 = tpu.memref_slice %arg3[%add3A_26] : memref<819200xi32, #tpu.memory_space<hbm>> -> memref<1280xi32, #tpu.memory_space<hbm>>
        tpu.enqueue_dma source(%dma_start3A_44 : memref<1280xi32, #tpu.memory_space<hbm>>) target(%arg7 : memref<1280xi32, #tpu.memory_space<vmem>>) target_semaphore(%run_scoped3A : memref<!tpu.dma_semaphore, #tpu.memory_space<semaphore_mem>>)
        %dma_wait3A_45 = tpu.memref_slice %arg3[%add3A_26] : memref<819200xi32, #tpu.memory_space<hbm>> -> memref<1280xi32, #tpu.memory_space<hbm>>
        %dma_wait3A_46 = tpu.memref_slice %arg3[%add3A_26] : memref<819200xi32, #tpu.memory_space<hbm>> -> memref<1280xi32, #tpu.memory_space<hbm>>
        tpu.wait_dma2 semaphore(%run_scoped3A : memref<!tpu.dma_semaphore, #tpu.memory_space<semaphore_mem>>) src(%dma_wait3A_46 : memref<1280xi32, #tpu.memory_space<hbm>>) dst(%arg7 : memref<1280xi32, #tpu.memory_space<vmem>>)
        tpu.yield
      }) : () -> ()
      %scan3A_27 = arith.constant 0 : i32
      %scan3A_28 = arith.constant 80 : i32
      %scan3A_29 = arith.addi %scan3A_27, %scan3A_28 : i32
      %scan3A_30 = arith.constant 1 : i32
      scf.for %scan3A_43 = %scan3A_27 to %scan3A_29 step %scan3A_30  : i32 {
        %mul3A_44 = arith.constant 16 : i32
        %mul3A_45 = arith.muli %scan3A_43, %mul3A_44 : i32
        %get3A = arith.index_cast %mul3A_45 : i32 to index
        %get3A_46 = tpu.vector_load %arg6[%get3A] {strides = array<i32>} : memref<1280xi32, #tpu.memory_space<vmem>>, vector<16xi32>,
        %add3A_47 = arith.constant 100000 : i32
        %add3A_48 = vector.broadcast %add3A_47 : i32 to vector<16xi32>
        %add3A_49 = arith.addi %get3A_46, %add3A_48 : vector<16xi32>
        %swap3A = arith.index_cast %mul3A_45 : i32 to index
        %swap3A_50 = tpu.vector_load %arg8[%swap3A] {strides = array<i32>} : memref<1280xi32, #tpu.memory_space<vmem>>, vector<16xi32>,
        tpu.vector_store %arg8[%swap3A], %add3A_49 {strides = array<i32>} : memref<1280xi32, #tpu.memory_space<vmem>>, vector<16xi32>,
        %add3A_51 = arith.constant 150000 : i32
        %add3A_52 = vector.broadcast %add3A_51 : i32 to vector<16xi32>
        %add3A_53 = arith.addi %get3A_46, %add3A_52 : vector<16xi32>
        %swap3A_54 = arith.index_cast %mul3A_45 : i32 to index
        %swap3A_55 = tpu.vector_load %arg9[%swap3A_54] {strides = array<i32>} : memref<1280xi32, #tpu.memory_space<vmem>>, vector<16xi32>,
        tpu.vector_store %arg9[%swap3A_54], %add3A_53 {strides = array<i32>} : memref<1280xi32, #tpu.memory_space<vmem>>, vector<16xi32>,
      }
      %scan3A_31 = arith.constant 80 : i32
      %dma_start3A = arith.constant 0 : i32
      %dma_start3A_32 = tpu.memref_slice %arg4[%dma_start3A] : memref<200000xf32, #tpu.memory_space<hbm>> -> memref<200000xf32, #tpu.memory_space<hbm>>
      tpu.enqueue_indirect_dma source(%dma_start3A_32 : memref<200000xf32, #tpu.memory_space<hbm>>) target(%arg10 : memref<1280xf32, #tpu.memory_space<vmem>>) offsets(%arg8 : memref<1280xi32, #tpu.memory_space<vmem>>) semaphore(%arg13 : memref<!tpu.dma_semaphore, #tpu.memory_space<semaphore_mem>>)
      %dma_start3A_33 = arith.constant 0 : i32
      %dma_start3A_34 = tpu.memref_slice %arg4[%dma_start3A_33] : memref<200000xf32, #tpu.memory_space<hbm>> -> memref<200000xf32, #tpu.memory_space<hbm>>
      tpu.enqueue_indirect_dma source(%dma_start3A_34 : memref<200000xf32, #tpu.memory_space<hbm>>) target(%arg11 : memref<1280xf32, #tpu.memory_space<vmem>>) offsets(%arg9 : memref<1280xi32, #tpu.memory_space<vmem>>) semaphore(%arg13 : memref<!tpu.dma_semaphore, #tpu.memory_space<semaphore_mem>>)
      %dma_wait3A = arith.constant 0 : i32
      %dma_wait3A_35 = tpu.memref_slice %arg4[%dma_wait3A] : memref<200000xf32, #tpu.memory_space<hbm>> -> memref<200000xf32, #tpu.memory_space<hbm>>
      tpu.wait_indirect_dma semaphore(%arg13 : memref<!tpu.dma_semaphore, #tpu.memory_space<semaphore_mem>>) src(%dma_wait3A_35 : memref<200000xf32, #tpu.memory_space<hbm>>) dst(%arg10 : memref<1280xf32, #tpu.memory_space<vmem>>)
      %dma_wait3A_36 = arith.constant 0 : i32
      %dma_wait3A_37 = tpu.memref_slice %arg4[%dma_wait3A_36] : memref<200000xf32, #tpu.memory_space<hbm>> -> memref<200000xf32, #tpu.memory_space<hbm>>
      tpu.wait_indirect_dma semaphore(%arg13 : memref<!tpu.dma_semaphore, #tpu.memory_space<semaphore_mem>>) src(%dma_wait3A_37 : memref<200000xf32, #tpu.memory_space<hbm>>) dst(%arg11 : memref<1280xf32, #tpu.memory_space<vmem>>)
      %scan3A_38 = arith.constant 0 : i32
      %scan3A_39 = arith.constant 80 : i32
      %scan3A_40 = arith.addi %scan3A_38, %scan3A_39 : i32
      %scan3A_41 = arith.constant 1 : i32
      scf.for %scan3A_43 = %scan3A_38 to %scan3A_40 step %scan3A_41  : i32 {
        %mul3A_44 = arith.constant 16 : i32
        %mul3A_45 = arith.muli %scan3A_43, %mul3A_44 : i32
        %get3A = arith.index_cast %mul3A_45 : i32 to index
        %get3A_46 = tpu.vector_load %arg7[%get3A] {strides = array<i32>} : memref<1280xi32, #tpu.memory_space<vmem>>, vector<16xi32>,
        %lt3A = arith.constant 50000 : i32
        %lt3A_47 = vector.broadcast %lt3A : i32 to vector<16xi32>
        %lt3A_48 = arith.cmpi slt, %get3A_46, %lt3A_47 : vector<16xi32>
        %mul3A_49 = arith.constant 2 : i32
        %mul3A_50 = vector.broadcast %mul3A_49 : i32 to vector<16xi32>
        %mul3A_51 = arith.muli %get3A_46, %mul3A_50 : vector<16xi32>
        %jit3A = arith.constant 0 : i32
        %broadcast_in_dim3A_52 = vector.broadcast %jit3A : i32 to vector<16xi32>
        %select_n3A = arith.select %lt3A_48, %mul3A_51, %broadcast_in_dim3A_52 : vector<16xi1>, vector<16xi32>
        %get3A_53 = arith.index_cast %mul3A_45 : i32 to index
        %get3A_54 = tpu.vector_load %arg10[%get3A_53] {strides = array<i32>} : memref<1280xf32, #tpu.memory_space<vmem>>, vector<16xf32>,
        %get3A_55 = arith.index_cast %mul3A_45 : i32 to index
        %get3A_56 = tpu.vector_load %arg11[%get3A_55] {strides = array<i32>} : memref<1280xf32, #tpu.memory_space<vmem>>, vector<16xf32>,
        %while3A = scf.while (%while3A_57 = %lt3A_48) : (vector<16xi1>) -> vector<16xi1> {
          %reduce_or3A = arith.constant 1.000000e+00 : f32
          %reduce_or3A_58 = arith.constant 0.000000e+00 : f32
          %reduce_or3A_59 = vector.broadcast %reduce_or3A : f32 to vector<16xf32>
          %reduce_or3A_60 = vector.broadcast %reduce_or3A_58 : f32 to vector<16xf32>
          %reduce_or3A_61 = arith.select %while3A_57, %reduce_or3A_59, %reduce_or3A_60 : vector<16xi1>, vector<16xf32>
          %reduce_or3A_62 = arith.constant true
          %reduce_or3A_63 = vector.broadcast %reduce_or3A_62 : i1 to vector<16xi1>
          %reduce_or3A_64 = tpu.scan <max>, %reduce_or3A_61 masked %reduce_or3A_63 : vector<16xf32>, vector<16xi1> -> vector<16xf32>
          %reduce_or3A_65 = vector.extract %reduce_or3A_64[15] : f32 from vector<16xf32>
          %reduce_or3A_66 = arith.constant 0.000000e+00 : f32
          %reduce_or3A_67 = arith.cmpf ogt, %reduce_or3A_65, %reduce_or3A_66 : f32
          scf.condition(%reduce_or3A_67) %while3A_57 : vector<16xi1>
        } do {
        ^bb0(%while3A_57: vector<16xi1>):
          %gather3A = tpu.vector_load_idx %arg12[%select_n3A] masked %while3A_57 : memref<100352xf32, #tpu.memory_space<vmem>>[vector<16xi32>], vector<16xf32>, vector<16xi1>
          %gt3A = arith.cmpf ogt, %get3A_54, %gather3A : vector<16xf32>
          %and3A = arith.andi %while3A_57, %gt3A : vector<16xi1>
          tpu.vector_store_idx %arg12[%select_n3A], %get3A_54 masked %and3A : memref<100352xf32, #tpu.memory_space<vmem>>[vector<16xi32>], vector<16xf32>, vector<16xi1>
          %add3A_58 = arith.constant 1 : i32
          %add3A_59 = vector.broadcast %add3A_58 : i32 to vector<16xi32>
          %add3A_60 = arith.addi %select_n3A, %add3A_59 : vector<16xi32>
          %gather3A_61 = tpu.vector_load_idx %arg12[%add3A_60] masked %while3A_57 : memref<100352xf32, #tpu.memory_space<vmem>>[vector<16xi32>], vector<16xf32>, vector<16xi1>
          %gt3A_62 = arith.cmpf ogt, %get3A_56, %gather3A_61 : vector<16xf32>
          %and3A_63 = arith.andi %while3A_57, %gt3A_62 : vector<16xi1>
          %add3A_64 = arith.constant 1 : i32
          %add3A_65 = vector.broadcast %add3A_64 : i32 to vector<16xi32>
          %add3A_66 = arith.addi %select_n3A, %add3A_65 : vector<16xi32>
          tpu.vector_store_idx %arg12[%add3A_66], %get3A_56 masked %and3A_63 : memref<100352xf32, #tpu.memory_space<vmem>>[vector<16xi32>], vector<16xf32>, vector<16xi1>
          %or3A = arith.ori %and3A, %and3A_63 : vector<16xi1>
          scf.yield %or3A : vector<16xi1>
        }
      }
      %scan3A_42 = arith.constant 80 : i32
    }
    %scan3A_22 = arith.constant 20 : i32
    "tpu.region"() ({
      %run_scoped3A = tpu.sem_alloc : memref<!tpu.dma_semaphore, #tpu.memory_space<semaphore_mem>>
      %dma_start3A = arith.constant 100352 : i32
      %dma_start3A_23 = tpu.memref_slice %arg5[%add3A, %dma_start3A] : memref<32x200704xf32, #tpu.memory_space<hbm>> -> memref<1x100352xf32, #tpu.memory_space<hbm>>
      %dma_start3A_24 = tpu.memref_squeeze %dma_start3A_23 : memref<1x100352xf32, #tpu.memory_space<hbm>> -> memref<100352xf32, #tpu.memory_space<hbm>>
      %dma_start3A_25 = arith.constant 100352 : i32
      %dma_start3A_26 = tpu.memref_slice %arg5[%add3A, %dma_start3A_25] : memref<32x200704xf32, #tpu.memory_space<hbm>> -> memref<1x100352xf32, #tpu.memory_space<hbm>>
      %dma_start3A_27 = tpu.memref_squeeze %dma_start3A_26 : memref<1x100352xf32, #tpu.memory_space<hbm>> -> memref<100352xf32, #tpu.memory_space<hbm>>
      tpu.enqueue_dma source(%arg12 : memref<100352xf32, #tpu.memory_space<vmem>>) target(%dma_start3A_27 : memref<100352xf32, #tpu.memory_space<hbm>>) target_semaphore(%run_scoped3A : memref<!tpu.dma_semaphore, #tpu.memory_space<semaphore_mem>>)
      %dma_wait3A = arith.constant 100352 : i32
      %dma_wait3A_28 = tpu.memref_slice %arg5[%add3A, %dma_wait3A] : memref<32x200704xf32, #tpu.memory_space<hbm>> -> memref<1x100352xf32, #tpu.memory_space<hbm>>
      %dma_wait3A_29 = tpu.memref_squeeze %dma_wait3A_28 : memref<1x100352xf32, #tpu.memory_space<hbm>> -> memref<100352xf32, #tpu.memory_space<hbm>>
      %dma_wait3A_30 = arith.constant 100352 : i32
      %dma_wait3A_31 = tpu.memref_slice %arg5[%add3A, %dma_wait3A_30] : memref<32x200704xf32, #tpu.memory_space<hbm>> -> memref<1x100352xf32, #tpu.memory_space<hbm>>
      %dma_wait3A_32 = tpu.memref_squeeze %dma_wait3A_31 : memref<1x100352xf32, #tpu.memory_space<hbm>> -> memref<100352xf32, #tpu.memory_space<hbm>>
      tpu.wait_dma2 semaphore(%run_scoped3A : memref<!tpu.dma_semaphore, #tpu.memory_space<semaphore_mem>>) src(%arg12 : memref<100352xf32, #tpu.memory_space<vmem>>) dst(%dma_wait3A_32 : memref<100352xf32, #tpu.memory_space<hbm>>)
      tpu.yield
    }) : () -> ()
    return
  }
}

module attributes {stable_mosaic.version = 14 : i64} {
  func.func @_dense_body(%arg0: i32, %arg1: memref<1024x128xf32, #tpu.memory_space<vmem>>, %arg2: memref<1024x128xf32, #tpu.memory_space<vmem>>, %arg3: memref<1024x128xf32, #tpu.memory_space<vmem>>, %arg4: memref<128x6xf32, #tpu.memory_space<vmem>>, %arg5: memref<128x6xf32, #tpu.memory_space<vmem>>, %arg6: memref<3x6xf32, #tpu.memory_space<vmem>>, %arg7: memref<4x6xf32, #tpu.memory_space<vmem>>, %arg8: memref<1x6xf32, #tpu.memory_space<vmem>>, %arg9: memref<1024x4xf32, #tpu.memory_space<vmem>>, %arg10: memref<1024x2xf32, #tpu.memory_space<vmem>>) attributes {dimension_semantics = [#tpu.dimension_semantics<arbitrary>], iteration_bounds = array<i64: 49>, scalar_prefetch = 0 : i64, scratch_operands = 0 : i64, tpu.core_type = #tpu.core_type<tc>, window_params = [{transform_indices = @transform_0, window_bounds = array<i64: 1024, 128>}, {transform_indices = @transform_1, window_bounds = array<i64: 1024, 128>}, {transform_indices = @transform_2, window_bounds = array<i64: 1024, 128>}, {pipeline_mode = #tpu.pipeline_mode<synchronous>, transform_indices = @transform_3, window_bounds = array<i64: 128, 6>}, {pipeline_mode = #tpu.pipeline_mode<synchronous>, transform_indices = @transform_4, window_bounds = array<i64: 128, 6>}, {pipeline_mode = #tpu.pipeline_mode<synchronous>, transform_indices = @transform_5, window_bounds = array<i64: 3, 6>}, {pipeline_mode = #tpu.pipeline_mode<synchronous>, transform_indices = @transform_6, window_bounds = array<i64: 4, 6>}, {pipeline_mode = #tpu.pipeline_mode<synchronous>, transform_indices = @transform_7, window_bounds = array<i64: 1, 6>}, {transform_indices = @transform_8, window_bounds = array<i64: 1024, 4>}, {transform_indices = @transform_9, window_bounds = array<i64: 1024, 2>}]} {
    %get3A = arith.constant 0 : index
    %get3A_0 = arith.constant 0 : index
    %get3A_1 = vector.load %arg1[%get3A, %get3A_0] : memref<1024x128xf32, #tpu.memory_space<vmem>>, vector<1024x128xf32>
    %get3A_2 = arith.constant 0 : index
    %get3A_3 = arith.constant 0 : index
    %get3A_4 = vector.load %arg2[%get3A_2, %get3A_3] : memref<1024x128xf32, #tpu.memory_space<vmem>>, vector<1024x128xf32>
    %get3A_5 = arith.constant 0 : index
    %get3A_6 = arith.constant 0 : index
    %get3A_7 = vector.load %arg3[%get3A_5, %get3A_6] : memref<1024x128xf32, #tpu.memory_space<vmem>>, vector<1024x128xf32>
    %slice3A = vector.extract_strided_slice %get3A_7 {offsets = [0, 0], sizes = [1024, 4], strides = [1, 1]} : vector<1024x128xf32> to vector<1024x4xf32>
    %slice3A_8 = vector.extract_strided_slice %get3A_7 {offsets = [0, 4], sizes = [1024, 1], strides = [1, 1]} : vector<1024x128xf32> to vector<1024x1xf32>
    %sub3A = arith.constant 1.000000e+00 : f32
    %sub3A_9 = vector.broadcast %sub3A : f32 to vector<1024x1xf32>
    %sub3A_10 = arith.subf %slice3A_8, %sub3A_9 : vector<1024x1xf32>
    %min3A = arith.constant 2.000000e+00 : f32
    %min3A_11 = vector.broadcast %min3A : f32 to vector<1024x1xf32>
    %min3A_12 = arith.minimumf %sub3A_10, %min3A_11 : vector<1024x1xf32>
    %convert_element_type3A = arith.fptosi %min3A_12 : vector<1024x1xf32> to vector<1024x1xi32>
    %get3A_13 = arith.constant 0 : index
    %get3A_14 = arith.constant 0 : index
    %get3A_15 = vector.load %arg4[%get3A_13, %get3A_14] : memref<128x6xf32, #tpu.memory_space<vmem>>, vector<128x6xf32>
    %dot_general3A = arith.constant dense<0.000000e+00> : vector<1024x6xf32>
    %dot_general3A_16 = tpu.matmul %get3A_1, %get3A_15, %dot_general3A {dimension_numbers = #tpu.dot_dimension_numbers<[1], [0], [0], [1], [0, 0, 1, 1], [], []>, precision = #tpu.contract_precision<fp32>, transpose_lhs_hint = false} : vector<1024x128xf32>, vector<128x6xf32>, vector<1024x6xf32> -> vector<1024x6xf32>
    %get3A_17 = arith.constant 0 : index
    %get3A_18 = arith.constant 0 : index
    %get3A_19 = vector.load %arg5[%get3A_17, %get3A_18] : memref<128x6xf32, #tpu.memory_space<vmem>>, vector<128x6xf32>
    %dot_general3A_20 = arith.constant dense<0.000000e+00> : vector<1024x6xf32>
    %dot_general3A_21 = tpu.matmul %get3A_4, %get3A_19, %dot_general3A_20 {dimension_numbers = #tpu.dot_dimension_numbers<[1], [0], [0], [1], [0, 0, 1, 1], [], []>, precision = #tpu.contract_precision<fp32>, transpose_lhs_hint = false} : vector<1024x128xf32>, vector<128x6xf32>, vector<1024x6xf32> -> vector<1024x6xf32>
    %add3A = arith.addf %dot_general3A_16, %dot_general3A_21 : vector<1024x6xf32>
    %get3A_22 = arith.constant 0 : index
    %get3A_23 = arith.constant 0 : index
    %get3A_24 = vector.load %arg7[%get3A_22, %get3A_23] : memref<4x6xf32, #tpu.memory_space<vmem>>, vector<4x6xf32>
    %dot_general3A_25 = arith.constant dense<0.000000e+00> : vector<1024x6xf32>
    %dot_general3A_26 = tpu.matmul %slice3A, %get3A_24, %dot_general3A_25 {dimension_numbers = #tpu.dot_dimension_numbers<[1], [0], [0], [1], [0, 0, 1, 1], [], []>, precision = #tpu.contract_precision<fp32>, transpose_lhs_hint = false} : vector<1024x4xf32>, vector<4x6xf32>, vector<1024x6xf32> -> vector<1024x6xf32>
    %add3A_27 = arith.addf %add3A, %dot_general3A_26 : vector<1024x6xf32>
    %eq3A = arith.constant 0 : i32
    %eq3A_28 = vector.broadcast %eq3A : i32 to vector<1024x1xi32>
    %eq3A_29 = arith.cmpi eq, %convert_element_type3A, %eq3A_28 : vector<1024x1xi32>
    %jit3A = arith.constant 1.000000e+00 : f32
    %jit3A_30 = arith.constant 0.000000e+00 : f32
    %broadcast_in_dim3A = vector.broadcast %jit3A : f32 to vector<1024x1xf32>
    %broadcast_in_dim3A_31 = vector.broadcast %jit3A_30 : f32 to vector<1024x1xf32>
    %select_n3A = arith.select %eq3A_29, %broadcast_in_dim3A, %broadcast_in_dim3A_31 : vector<1024x1xi1>, vector<1024x1xf32>
    %get3A_32 = arith.constant 0 : index
    %get3A_33 = arith.constant 0 : index
    %get3A_34 = vector.load %arg6[%get3A_32, %get3A_33] : memref<3x6xf32, #tpu.memory_space<vmem>>, vector<1x6xf32>
    %mul3A = vector.broadcast %select_n3A : vector<1024x1xf32> to vector<1024x6xf32>
    %mul3A_35 = vector.broadcast %get3A_34 : vector<1x6xf32> to vector<1024x6xf32>
    %mul3A_36 = arith.mulf %mul3A, %mul3A_35 : vector<1024x6xf32>
    %add3A_37 = arith.addf %add3A_27, %mul3A_36 : vector<1024x6xf32>
    %eq3A_38 = arith.constant 1 : i32
    %eq3A_39 = vector.broadcast %eq3A_38 : i32 to vector<1024x1xi32>
    %eq3A_40 = arith.cmpi eq, %convert_element_type3A, %eq3A_39 : vector<1024x1xi32>
    %jit3A_41 = arith.constant 1.000000e+00 : f32
    %jit3A_42 = arith.constant 0.000000e+00 : f32
    %broadcast_in_dim3A_43 = vector.broadcast %jit3A_41 : f32 to vector<1024x1xf32>
    %broadcast_in_dim3A_44 = vector.broadcast %jit3A_42 : f32 to vector<1024x1xf32>
    %select_n3A_45 = arith.select %eq3A_40, %broadcast_in_dim3A_43, %broadcast_in_dim3A_44 : vector<1024x1xi1>, vector<1024x1xf32>
    %get3A_46 = arith.constant 1 : index
    %get3A_47 = arith.constant 0 : index
    %get3A_48 = vector.load %arg6[%get3A_46, %get3A_47] : memref<3x6xf32, #tpu.memory_space<vmem>>, vector<1x6xf32>
    %mul3A_49 = vector.broadcast %select_n3A_45 : vector<1024x1xf32> to vector<1024x6xf32>
    %mul3A_50 = vector.broadcast %get3A_48 : vector<1x6xf32> to vector<1024x6xf32>
    %mul3A_51 = arith.mulf %mul3A_49, %mul3A_50 : vector<1024x6xf32>
    %add3A_52 = arith.addf %add3A_37, %mul3A_51 : vector<1024x6xf32>
    %eq3A_53 = arith.constant 2 : i32
    %eq3A_54 = vector.broadcast %eq3A_53 : i32 to vector<1024x1xi32>
    %eq3A_55 = arith.cmpi eq, %convert_element_type3A, %eq3A_54 : vector<1024x1xi32>
    %jit3A_56 = arith.constant 1.000000e+00 : f32
    %jit3A_57 = arith.constant 0.000000e+00 : f32
    %broadcast_in_dim3A_58 = vector.broadcast %jit3A_56 : f32 to vector<1024x1xf32>
    %broadcast_in_dim3A_59 = vector.broadcast %jit3A_57 : f32 to vector<1024x1xf32>
    %select_n3A_60 = arith.select %eq3A_55, %broadcast_in_dim3A_58, %broadcast_in_dim3A_59 : vector<1024x1xi1>, vector<1024x1xf32>
    %get3A_61 = arith.constant 2 : index
    %get3A_62 = arith.constant 0 : index
    %get3A_63 = vector.load %arg6[%get3A_61, %get3A_62] : memref<3x6xf32, #tpu.memory_space<vmem>>, vector<1x6xf32>
    %mul3A_64 = vector.broadcast %select_n3A_60 : vector<1024x1xf32> to vector<1024x6xf32>
    %mul3A_65 = vector.broadcast %get3A_63 : vector<1x6xf32> to vector<1024x6xf32>
    %mul3A_66 = arith.mulf %mul3A_64, %mul3A_65 : vector<1024x6xf32>
    %add3A_67 = arith.addf %add3A_52, %mul3A_66 : vector<1024x6xf32>
    %get3A_68 = arith.constant 0 : index
    %get3A_69 = arith.constant 0 : index
    %get3A_70 = vector.load %arg8[%get3A_68, %get3A_69] : memref<1x6xf32, #tpu.memory_space<vmem>>, vector<1x6xf32>
    %add3A_71 = vector.broadcast %get3A_70 : vector<1x6xf32> to vector<1024x6xf32>
    %add3A_72 = arith.addf %add3A_67, %add3A_71 : vector<1024x6xf32>
    %slice3A_73 = vector.extract_strided_slice %add3A_72 {offsets = [0, 0], sizes = [1024, 4], strides = [1, 1]} : vector<1024x6xf32> to vector<1024x4xf32>
    %swap3A = arith.constant 0 : index
    %swap3A_74 = arith.constant 0 : index
    %swap3A_75 = vector.load %arg9[%swap3A, %swap3A_74] : memref<1024x4xf32, #tpu.memory_space<vmem>>, vector<1024x4xf32>
    tpu.vector_store %arg9[%swap3A, %swap3A_74], %slice3A_73 {strides = array<i32>} : memref<1024x4xf32, #tpu.memory_space<vmem>>, vector<1024x4xf32>,
    %slice3A_76 = vector.extract_strided_slice %add3A_72 {offsets = [0, 4], sizes = [1024, 2], strides = [1, 1]} : vector<1024x6xf32> to vector<1024x2xf32>
    %swap3A_77 = arith.constant 0 : index
    %swap3A_78 = arith.constant 0 : index
    %swap3A_79 = vector.load %arg10[%swap3A_77, %swap3A_78] : memref<1024x2xf32, #tpu.memory_space<vmem>>, vector<1024x2xf32>
    tpu.vector_store %arg10[%swap3A_77, %swap3A_78], %slice3A_76 {strides = array<i32>} : memref<1024x2xf32, #tpu.memory_space<vmem>>, vector<1024x2xf32>,
    return
  }
  func.func @transform_0(%arg0: i32) -> (i32, i32) {
    %c0_i32 = arith.constant 0 : i32
    %c0_i32_0 = arith.constant 0 : i32
    return %arg0, %c0_i32 : i32, i32
  }
  func.func @transform_1(%arg0: i32) -> (i32, i32) {
    %c1_i32 = arith.constant 1 : i32
    %c0_i32 = arith.constant 0 : i32
    return %arg0, %c1_i32 : i32, i32
  }
  func.func @transform_2(%arg0: i32) -> (i32, i32) {
    %c7_i32 = arith.constant 7 : i32
    %c0_i32 = arith.constant 0 : i32
    return %arg0, %c7_i32 : i32, i32
  }
  func.func @transform_3(%arg0: i32) -> (i32, i32) {
    %c0_i32 = arith.constant 0 : i32
    %c0_i32_0 = arith.constant 0 : i32
    %c0_i32_1 = arith.constant 0 : i32
    return %c0_i32, %c0_i32_0 : i32, i32
  }
  func.func @transform_4(%arg0: i32) -> (i32, i32) {
    %c0_i32 = arith.constant 0 : i32
    %c0_i32_0 = arith.constant 0 : i32
    %c0_i32_1 = arith.constant 0 : i32
    return %c0_i32, %c0_i32_0 : i32, i32
  }
  func.func @transform_5(%arg0: i32) -> (i32, i32) {
    %c0_i32 = arith.constant 0 : i32
    %c0_i32_0 = arith.constant 0 : i32
    %c0_i32_1 = arith.constant 0 : i32
    return %c0_i32, %c0_i32_0 : i32, i32
  }
  func.func @transform_6(%arg0: i32) -> (i32, i32) {
    %c0_i32 = arith.constant 0 : i32
    %c0_i32_0 = arith.constant 0 : i32
    %c0_i32_1 = arith.constant 0 : i32
    return %c0_i32, %c0_i32_0 : i32, i32
  }
  func.func @transform_7(%arg0: i32) -> (i32, i32) {
    %c0_i32 = arith.constant 0 : i32
    %c0_i32_0 = arith.constant 0 : i32
    %c0_i32_1 = arith.constant 0 : i32
    return %c0_i32, %c0_i32_0 : i32, i32
  }
  func.func @transform_8(%arg0: i32) -> (i32, i32) {
    %c0_i32 = arith.constant 0 : i32
    %c0_i32_0 = arith.constant 0 : i32
    return %arg0, %c0_i32 : i32, i32
  }
  func.func @transform_9(%arg0: i32) -> (i32, i32) {
    %c0_i32 = arith.constant 0 : i32
    %c0_i32_0 = arith.constant 0 : i32
    return %arg0, %c0_i32 : i32, i32
  }
}

module attributes {stable_mosaic.version = 14 : i64} {
  func.func @_edge_body(%arg0: i32, %arg1: memref<256x128xi32, #tpu.memory_space<vmem>>, %arg2: memref<256x128xi32, #tpu.memory_space<vmem>>, %arg3: memref<256x128xi32, #tpu.memory_space<vmem>>) attributes {dimension_semantics = [#tpu.dimension_semantics<arbitrary>], iteration_bounds = array<i64: 25>, scalar_prefetch = 0 : i64, scratch_operands = 0 : i64, tpu.core_type = #tpu.core_type<tc>, window_params = [{transform_indices = @transform_0, window_bounds = array<i64: 256, 128>}, {transform_indices = @transform_1, window_bounds = array<i64: 256, 128>}, {transform_indices = @transform_2, window_bounds = array<i64: 256, 128>}]} {
    %get3A = arith.constant 0 : index
    %get3A_0 = arith.constant 0 : index
    %get3A_1 = vector.load %arg1[%get3A, %get3A_0] : memref<256x128xi32, #tpu.memory_space<vmem>>, vector<256x128xi32>
    %get3A_2 = arith.constant 0 : index
    %get3A_3 = arith.constant 0 : index
    %get3A_4 = vector.load %arg2[%get3A_2, %get3A_3] : memref<256x128xi32, #tpu.memory_space<vmem>>, vector<256x128xi32>
    %iota3A = tpu.iota {dimensions = array<i32: 0>} : vector<256x128xi32>
    %mul3A = arith.constant 256 : i32
    %mul3A_5 = arith.muli %arg0, %mul3A : i32
    %add3A = vector.broadcast %mul3A_5 : i32 to vector<256x128xi32>
    %add3A_6 = arith.addi %iota3A, %add3A : vector<256x128xi32>
    %iota3A_7 = tpu.iota {dimensions = array<i32: 1>} : vector<256x128xi32>
    %mul3A_8 = arith.constant 128 : i32
    %mul3A_9 = vector.broadcast %mul3A_8 : i32 to vector<256x128xi32>
    %mul3A_10 = arith.muli %add3A_6, %mul3A_9 : vector<256x128xi32>
    %add3A_11 = arith.addi %mul3A_10, %iota3A_7 : vector<256x128xi32>
    %lt3A = arith.constant 800000 : i32
    %lt3A_12 = vector.broadcast %lt3A : i32 to vector<256x128xi32>
    %lt3A_13 = arith.cmpi slt, %add3A_11, %lt3A_12 : vector<256x128xi32>
    %eq3A = arith.constant 0 : i32
    %eq3A_14 = vector.broadcast %eq3A : i32 to vector<256x128xi32>
    %eq3A_15 = arith.cmpi eq, %get3A_4, %eq3A_14 : vector<256x128xi32>
    %eq3A_16 = arith.constant 111 : i32
    %eq3A_17 = vector.broadcast %eq3A_16 : i32 to vector<256x128xi32>
    %eq3A_18 = arith.cmpi eq, %get3A_4, %eq3A_17 : vector<256x128xi32>
    %or3A = arith.ori %eq3A_15, %eq3A_18 : vector<256x128xi1>
    %and3A = arith.andi %lt3A_13, %or3A : vector<256x128xi1>
    %jit3A = arith.constant 50000 : i32
    %broadcast_in_dim3A = vector.broadcast %jit3A : i32 to vector<256x128xi32>
    %select_n3A = arith.select %and3A, %get3A_1, %broadcast_in_dim3A : vector<256x128xi1>, vector<256x128xi32>
    %swap3A = arith.constant 0 : index
    %swap3A_19 = arith.constant 0 : index
    %swap3A_20 = vector.load %arg3[%swap3A, %swap3A_19] : memref<256x128xi32, #tpu.memory_space<vmem>>, vector<256x128xi32>
    tpu.vector_store %arg3[%swap3A, %swap3A_19], %select_n3A {strides = array<i32>} : memref<256x128xi32, #tpu.memory_space<vmem>>, vector<256x128xi32>,
    return
  }
  func.func @transform_0(%arg0: i32) -> (i32, i32) {
    %c0_i32 = arith.constant 0 : i32
    %c0_i32_0 = arith.constant 0 : i32
    return %arg0, %c0_i32 : i32, i32
  }
  func.func @transform_1(%arg0: i32) -> (i32, i32) {
    %c0_i32 = arith.constant 0 : i32
    %c0_i32_0 = arith.constant 0 : i32
    return %arg0, %c0_i32 : i32, i32
  }
  func.func @transform_2(%arg0: i32) -> (i32, i32) {
    %c0_i32 = arith.constant 0 : i32
    %c0_i32_0 = arith.constant 0 : i32
    return %arg0, %c0_i32 : i32, i32
  }
}

module attributes {stable_mosaic.version = 14 : i64} {
  func.func @_reduce_body(%arg0: i32, %arg1: memref<32x224x128xf32, #tpu.memory_space<vmem>>, %arg2: memref<224x128xf32, #tpu.memory_space<vmem>>) attributes {dimension_semantics = [#tpu.dimension_semantics<arbitrary>], iteration_bounds = array<i64: 7>, scalar_prefetch = 0 : i64, scratch_operands = 0 : i64, tpu.core_type = #tpu.core_type<tc>, window_params = [{transform_indices = @transform_0, window_bounds = array<i64: 32, 224, 128>}, {transform_indices = @transform_1, window_bounds = array<i64: 224, 128>}]} {
    %get3A = arith.constant 0 : index
    %get3A_0 = arith.constant 0 : index
    %get3A_1 = arith.constant 0 : index
    %get3A_2 = vector.load %arg1[%get3A, %get3A_0, %get3A_1] : memref<32x224x128xf32, #tpu.memory_space<vmem>>, vector<32x224x128xf32>
    %reduce_max3A = arith.constant dense<0xFF800000> : vector<224x128xf32>
    %reduce_max3A_3 = vector.multi_reduction <maximumf>, %get3A_2, %reduce_max3A [0] : vector<32x224x128xf32> to vector<224x128xf32>
    %swap3A = arith.constant 0 : index
    %swap3A_4 = arith.constant 0 : index
    %swap3A_5 = vector.load %arg2[%swap3A, %swap3A_4] : memref<224x128xf32, #tpu.memory_space<vmem>>, vector<224x128xf32>
    tpu.vector_store %arg2[%swap3A, %swap3A_4], %reduce_max3A_3 {strides = array<i32>} : memref<224x128xf32, #tpu.memory_space<vmem>>, vector<224x128xf32>,
    return
  }
  func.func @transform_0(%arg0: i32) -> (i32, i32, i32) {
    %c0_i32 = arith.constant 0 : i32
    %c0_i32_0 = arith.constant 0 : i32
    %c0_i32_1 = arith.constant 0 : i32
    return %c0_i32, %arg0, %c0_i32_0 : i32, i32, i32
  }
  func.func @transform_1(%arg0: i32) -> (i32, i32) {
    %c0_i32 = arith.constant 0 : i32
    %c0_i32_0 = arith.constant 0 : i32
    return %arg0, %c0_i32 : i32, i32
  }
}

module attributes {stable_mosaic.version = 14 : i64} {
  func.func @_combine_body(%arg0: i32, %arg1: memref<2048x2xf32, #tpu.memory_space<vmem>>, %arg2: memref<2048x2xf32, #tpu.memory_space<vmem>>, %arg3: memref<2048x2xf32, #tpu.memory_space<vmem>>, %arg4: memref<2048x2xf32, #tpu.memory_space<vmem>>) attributes {dimension_semantics = [#tpu.dimension_semantics<arbitrary>], iteration_bounds = array<i64: 25>, scalar_prefetch = 0 : i64, scratch_operands = 0 : i64, tpu.core_type = #tpu.core_type<tc>, window_params = [{transform_indices = @transform_0, window_bounds = array<i64: 2048, 2>}, {transform_indices = @transform_1, window_bounds = array<i64: 2048, 2>}, {transform_indices = @transform_2, window_bounds = array<i64: 2048, 2>}, {transform_indices = @transform_3, window_bounds = array<i64: 2048, 2>}]} {
    %get3A = arith.constant 0 : index
    %get3A_0 = arith.constant 0 : index
    %get3A_1 = vector.load %arg1[%get3A, %get3A_0] : memref<2048x2xf32, #tpu.memory_space<vmem>>, vector<2048x2xf32>
    %get3A_2 = arith.constant 0 : index
    %get3A_3 = arith.constant 0 : index
    %get3A_4 = vector.load %arg2[%get3A_2, %get3A_3] : memref<2048x2xf32, #tpu.memory_space<vmem>>, vector<2048x2xf32>
    %slice3A = vector.extract_strided_slice %get3A_1 {offsets = [0, 0], sizes = [2048, 1], strides = [1, 1]} : vector<2048x2xf32> to vector<2048x1xf32>
    %eq3A = arith.constant 0xFF800000 : f32
    %eq3A_5 = vector.broadcast %eq3A : f32 to vector<2048x1xf32>
    %eq3A_6 = arith.cmpf oeq, %slice3A, %eq3A_5 : vector<2048x1xf32>
    %get3A_7 = arith.constant 0 : index
    %get3A_8 = arith.constant 0 : index
    %get3A_9 = vector.load %arg3[%get3A_7, %get3A_8] : memref<2048x2xf32, #tpu.memory_space<vmem>>, vector<2048x2xf32>
    %add3A = arith.addf %get3A_9, %get3A_1 : vector<2048x2xf32>
    %add3A_10 = arith.addf %add3A, %get3A_4 : vector<2048x2xf32>
    %jit3A = arith.constant 0.000000e+00 : f32
    %broadcast_in_dim3A = vector.shape_cast %eq3A_6 : vector<2048x1xi1> to vector<2048x1xi1>
    %broadcast_in_dim3A_11 = vector.broadcast %broadcast_in_dim3A : vector<2048x1xi1> to vector<2048x2xi1>
    %broadcast_in_dim3A_12 = vector.broadcast %jit3A : f32 to vector<2048x2xf32>
    %select_n3A = arith.select %broadcast_in_dim3A_11, %broadcast_in_dim3A_12, %add3A_10 : vector<2048x2xi1>, vector<2048x2xf32>
    %swap3A = arith.constant 0 : index
    %swap3A_13 = arith.constant 0 : index
    %swap3A_14 = vector.load %arg4[%swap3A, %swap3A_13] : memref<2048x2xf32, #tpu.memory_space<vmem>>, vector<2048x2xf32>
    tpu.vector_store %arg4[%swap3A, %swap3A_13], %select_n3A {strides = array<i32>} : memref<2048x2xf32, #tpu.memory_space<vmem>>, vector<2048x2xf32>,
    return
  }
  func.func @transform_0(%arg0: i32) -> (i32, i32) {
    %c0_i32 = arith.constant 0 : i32
    %c0_i32_0 = arith.constant 0 : i32
    return %arg0, %c0_i32 : i32, i32
  }
  func.func @transform_1(%arg0: i32) -> (i32, i32) {
    %c0_i32 = arith.constant 0 : i32
    %c0_i32_0 = arith.constant 0 : i32
    return %arg0, %c0_i32 : i32, i32
  }
  func.func @transform_2(%arg0: i32) -> (i32, i32) {
    %c0_i32 = arith.constant 0 : i32
    %c0_i32_0 = arith.constant 0 : i32
    return %arg0, %c0_i32 : i32, i32
  }
  func.func @transform_3(%arg0: i32) -> (i32, i32) {
    %c0_i32 = arith.constant 0 : i32
    %c0_i32_0 = arith.constant 0 : i32
    return %arg0, %c0_i32 : i32, i32
  }
}

</mosaic_0001>

<sc_bundles>
// kernel: kernel.7.cloned.1.call-start
scs
__scs_entry_jumppad:
0x0: {  	(pc) =	sbr.rel $0x88, $3  }
0x1: {  	(tag) =	ssettag $0x0;
	lr =	simm.s32 $0x1  }
0x2: {  	[smem:$0x3F8E] =	sst lr;
	_ =	strace $0xD0000000  }
0x3: {  	_ = 	snop  }
0x4: {  	_ = 	snop  }
0x5: {  	_ = 	snop  }
0x6: {  	_ = 	snop  }
0x7: {  	_ = 	snop  }
__scs_overlays_trampoline_lowered:
0x8: {  	[smem:$0x3F9D] =	sst s0  }
0x9: {  	[smem:$0x3F9E] =	sst s1  }
0xa: {  	[smem:$0x3F9F] =	sst s2  }
0xb: {  	[smem:$0x3FA0] =	sst s3  }
0xc: {  	[smem:$0x3FA1] =	sst s4  }
0xd: {  	[smem:$0x3FA2] =	sst s5  }
0xe: {  	[smem:$0x3FA3] =	sst s6  }
0xf: {  	[smem:$0x3FA4] =	sst s7  }
0x10: {  	[smem:$0x3FA5] =	sst s8  }
0x11: {  	[smem:$0x3FA6] =	sst s9;
	s0 =	simm.s32 @!p0 $0x0  }
0x12: {  	s1 =	sld [smem:$0x3F8C];
	s0 =	simm.s32 @p0 $0x1  }
0x13: {  	[smem:$0x3FA7] =	sst s0;
	s0 =	simm.s32 @!p1 $0x0  }
0x14: {  	s2 =	sld [smem:$0x3F8B];
	s0 =	simm.s32 @p1 $0x1  }
0x15: {  	[smem:$0x3FA8] =	sst s0;
	s0 =	simm.s32 @!p2 $0x0  }
0x16: {  	s3 =	sld [smem:$0x3FDB];
	s0 =	simm.s32 @p2 $0x1  }
0x17: {  	s4 =	simm.s32 $0x1BF5;
	[smem:$0x3FAA] =	sst s0  }
0x18: {  	s0 =	sld [smem:$0x3F8D];
	_ =	swait.ge [sflag:s4], $0x0  }
0x19: {  	s7 =	sld [smem:$0x3F8E]  }
0x1a: {  	s8 =	sadd.s32 $0xFFFFE003, lr  }
0x1b: {  	s9 =	sadd.s32 $0xFFFFFEF7, lr;
	s5 =	simm.s32 $0xFFFFFFFF;
	p2 =	slt.u32 s8, $0xFFFFF086  }
0x1c: {  	p1 =	slt.u32 s9, $0xF7A;
	s5 =	simm.s32 @!p2 $0x0  }
0x1d: {  	s5 =	simm.s32 @p1 $0x1;
	p0 =	seq.s32 s7, s2  }
0x1e: {  	s7 =	smul.u32 @!p0 $0xF7A, s2;
	p2 =	seq.s32 @!p0 s5, $0x0  }
0x1f: {  	s9 =	smul.u32 $0xF7A, s1;
	s8 =	simm.s32 @!p0 $0x1BF5;
	p2 =	por !p2, p0  }
0x20: {  	[sflag:s8] =	ssyncset.s32 @!p0 $0xFFFFF086;
	s6 =	sadd.s32 @!p0 s3, s7;
	s7 =	simm.s32 @!p0 $0x108  }
0x21: {  	s3 =	sadd.s32 s3, s9;
	s6 =	sadd.s32 @!p0 $0x88, s6;
	s7 =	simm.s32 @p2 $0x1082  }
0x22: {  	[simem:s7], [sflag:s8] =	dma.local @!p0 [hbm:s6], $0xF7A  }
0x23: {  	s9 =	sor.u32 $0xD0000000, s2;
	s6 =	simm.s32 $0x108;
	_ =	swait.ge @!p0 [sflag:s8], $0x0  }
0x24: {  	s3 =	sadd.s32 $0x88, s3;
	s6 =	simm.s32 @!p1 $0x1082;
	[sflag:s4] =	ssyncset.s32 $0xFFFFF086  }
0x25: {  	[simem:s6], [sflag:s4] =	dma.local [hbm:s3], $0xF7A  }
0x26: {  	[smem:$0x3F8E] =	sst s1;
	(tag) =	ssettag s2;
	_ =	strace s9  }
0x27: {  	s1 =	sld [smem:$0x3F9E]  }
0x28: {  	s2 =	sld [smem:$0x3F9F]  }
0x29: {  	s4 =	sld [smem:$0x3FA1]  }
0x2a: {  	p0 =	seq.s32 s5, $0x0;
	s5 =	sld [smem:$0x3FA2]  }
0x2b: {  	s6 =	sld [smem:$0x3FA3]  }
0x2c: {  	s7 =	sld [smem:$0x3FA4]  }
0x2d: {  	s3 =	simm.s32 $0x108;
	s8 =	sld [smem:$0x3FA5]  }
0x2e: {  	s3 =	simm.s32 @!p0 $0x1082;
	s9 =	sld [smem:$0x3FA6]  }
0x2f: {  	lr =	sadd.s32 s0, s3;
	s0 =	sld [smem:$0x3F9D]  }
0x30: {  	s3 =	sld [smem:$0x3FA0]  }
0x31: {  	[smem:$0x3FA9] =	sst s10  }
0x32: {  	s10 =	sld [smem:$0x3FA7];
	_ =	sdelay $0x3  }
0x33: {  	p0 =	seq.s32 s10, $0x1;
	s10 =	sld [smem:$0x3FA9];
	_ =	sdelay $0x3  }
0x34: {  	[smem:$0x3FA9] =	sst s10  }
0x35: {  	s10 =	sld [smem:$0x3FA8];
	_ =	sdelay $0x3  }
0x36: {  	p1 =	seq.s32 s10, $0x1;
	s10 =	sld [smem:$0x3FA9];
	_ =	sdelay $0x3  }
0x37: {  	[smem:$0x3FA9] =	sst s10  }
0x38: {  	s10 =	sld [smem:$0x3FAA]  }
0x39: {  	_ = 	snop;
	(pc) =	sbr.ind lr, $3  }
0x3a: {  	_ = 	snop  }
0x3b: {  	_ = 	snop  }
0x3c: {  	p2 =	seq.s32 s10, $0x1;
	s10 =	sld [smem:$0x3FA9]  }
0x3d: {  	_ =	shalt  }
0x3e: {  	_ =	shalt  }
0x3f: {  	_ =	shalt  }
0x40: {  	_ =	shalt  }
0x41: {  	_ =	shalt  }
0x42: {  	_ =	shalt  }
0x43: {  	_ =	shalt  }
0x44: {  	_ =	shalt  }
0x45: {  	_ =	shalt  }
0x46: {  	_ =	shalt  }
0x47: {  	_ =	shalt  }
0x48: {  	_ =	shalt  }
0x49: {  	_ =	shalt  }
0x4a: {  	_ =	shalt  }
0x4b: {  	_ =	shalt  }
0x4c: {  	_ =	shalt  }
0x4d: {  	_ =	shalt  }
0x4e: {  	_ =	shalt  }
0x4f: {  	_ =	shalt  }
0x50: {  	_ =	shalt  }
0x51: {  	_ =	shalt  }
0x52: {  	_ =	shalt  }
0x53: {  	_ =	shalt  }
0x54: {  	_ =	shalt  }
0x55: {  	_ =	shalt  }
0x56: {  	_ =	shalt  }
0x57: {  	_ =	shalt  }
0x58: {  	_ =	shalt  }
0x59: {  	_ =	shalt  }
0x5a: {  	_ =	shalt  }
0x5b: {  	_ =	shalt  }
0x5c: {  	_ =	shalt  }
0x5d: {  	_ =	shalt  }
0x5e: {  	_ =	shalt  }
0x5f: {  	_ =	shalt  }
0x60: {  	_ =	shalt  }
0x61: {  	_ =	shalt  }
0x62: {  	_ =	shalt  }
0x63: {  	_ =	shalt  }
0x64: {  	_ =	shalt  }
0x65: {  	_ =	shalt  }
0x66: {  	_ =	shalt  }
0x67: {  	_ =	shalt  }
0x68: {  	_ =	shalt  }
0x69: {  	_ =	shalt  }
0x6a: {  	_ =	shalt  }
0x6b: {  	_ =	shalt  }
0x6c: {  	_ =	shalt  }
0x6d: {  	_ =	shalt  }
0x6e: {  	_ =	shalt  }
0x6f: {  	_ =	shalt  }
0x70: {  	_ =	shalt  }
0x71: {  	_ =	shalt  }
0x72: {  	_ =	shalt  }
0x73: {  	_ =	shalt  }
0x74: {  	_ =	shalt  }
0x75: {  	_ =	shalt  }
0x76: {  	_ =	shalt  }
0x77: {  	_ =	shalt  }
0x78: {  	_ =	shalt  }
0x79: {  	_ =	shalt  }
0x7a: {  	_ =	shalt  }
0x7b: {  	_ =	shalt  }
0x7c: {  	_ =	shalt  }
0x7d: {  	_ =	shalt  }
0x7e: {  	_ =	shalt  }
0x7f: {  	_ =	shalt  }
0x80: {  	_ =	shalt  }
0x81: {  	_ =	shalt  }
0x82: {  	_ =	shalt  }
0x83: {  	_ =	shalt  }
0x84: {  	_ =	shalt  }
0x85: {  	_ =	shalt  }
0x86: {  	_ =	shalt  }
0x87: {  	_ =	shalt  }
.Lfunc_end0:
.L_simem_size_0:
called_computation_lowered:
.L_overlay_start_0:
0x88: {  	s2 =	sld [smem:$0x3FD9]  }
0x89: {  	s3 =	sld [smem:$0x3FFE];
	_ =	sdelay $0x1  }
0x8a: {  	s1 =	srdreg.scid  }
0x8b: {  	s0 =	sand.u32 $0x1, s1  }
0x8c: {  	s16 =	sshll.u32 s0, $0xA;
	s2 =	sadd.s32 s3, s2  }
0x8d: {  	s2 =	sadd.s32 s2, s16  }
0x8e: {  	[smem:$0x3FB5] =	sst s2  }
0x8f: {  	_ = 	snop  }
0x90: {  	(tm) =	ssettm $0x1  }
0x91: {  	s17 =	sld [smem:$0x3FFB];
	_ =	sdelay $0x3  }
0x92: {  	_ =	strace s17  }
0x93: {  	s2 =	sld [smem:$0x3FFC];
	_ =	sdelay $0x3  }
0x94: {  	_ =	strace s2  }
0x95: {  	s2 =	sld [smem:$0x3FFD];
	_ =	sdelay $0x3  }
0x96: {  	_ =	strace s2  }
0x97: {  	_ =	strace $0x8FFFFFFF  }
0x98: {  	s18 =	sld [smem:$0x3FDB];
	_ =	sdelay $0x1  }
0x99: {  	s19 =	simm.s32 $_scs_section_size  }
0x9a: {  	s4 =	simm.s32 $_size__tile_overlayer_lowered;
	s5 =	simm.s32 $_tile_overlayer_lowered  }
0x9b: {  	s22 =	simm.s32 $0x1BFF;
	s21 =	sshll.u32 s5, $0x1;
	s2 =	sadd.s32 s19, s18  }
0x9c: {  	s6 =	simm.s32 $0x0;
	s20 =	sshll.u32 s4, $0x1;
	s4 =	sadd.s32 s21, s2  }
0x9d: {  	[timem:s6], [sflag:s22] =	dma.local [hbm:s4], s20  }
0x9e: {  	_ =	swait.ge [sflag:s22], s20  }
0x9f: {  	s3 =	ssub.s32 $0x0, s20;
	[sflag:s22] =	ssyncset.done $0x0  }
0xa0: {  	[sflag:s22] =	ssyncadd.s32 s3;
	_ =	sdelay $0x1  }
0xa1: {  	s23 =	simm.s32 $0x1B8B  }
0xa2: {  	_ =	swait.ge [sflag:s23], $0x1  }
0xa3: {  	[sflag:s23] =	ssyncset.done $0x0  }
0xa4: {  	s25 =	simm.s32 $0x1B8E;
	s24 =	sld [smem:$0x3FFE];
	[sflag:s23] =	ssyncadd.s32 $0xFFFFFFFF  }
0xa5: {  	s26 =	simm.s32 $execute0_lowered;
	[smem:$0x3FD2] =	sst s25  }
0xa6: {  	s4 =	sshll.u32 s26, $0x1;
	_ =	strace $0x80000046;
	[dreg:$0x1] =	wrdreg $0xFFFFFFFF  }
0xa7: {  	s28 =	simm.s32 $_size_execute0_lowered;
	s2 =	sadd.s32 s2, s4;
	[dreg:$0x0] =	wrdreg $0x0  }
0xa8: {  	s4 =	sshll.u32 s28, $0x1;
	[dreg:$0x2] =	wrdreg s2  }
0xa9: {  	[dreg:$0x3] =	wrdreg s4  }
0xaa: {  	[dreg:$0x4] =	wrdreg $0xC0  }
0xab: {  	_ =	task [dreg:s6], $0x5FFFF  }
0xac: {  	[dreg:$0x1] =	wrdreg $0xFFFFFFFF  }
0xad: {  	[dreg:$0x0] =	wrdreg $0x60  }
0xae: {  	[dreg:$0x2] =	wrdreg s24  }
0xaf: {  	[dreg:$0x3] =	wrdreg $0x9  }
0xb0: {  	_ =	task.clear_ibuf [dreg:s6], $0x4FFFF;
	_ =	strace $0x90000046  }
0xb1: {  	s29 =	simm.s32 $0x9;
	_ =	strace $0x80000048  }
0xb2: {  	_ =	swait.ge [sflag:s29], $0x1  }
0xb3: {  	[sflag:s29] =	ssyncadd.s32 $0xFFFFFFFF  }
0xb4: {  	_ =	strace $0x90000048  }
0xb5: {  	_ =	sfence  }
0xb6: {  	s30 =	sld [smem:$0x0];
	_ =	sdelay $0x2  }
0xb7: {  	s31 =	sshll.u32 s1, $0xD;
	s1 =	sshrl.u32 s1, $0x2  }
0xb8: {  	s3 =	sand.u32 $0x4000, s31;
	s1 =	sadd.s32 s1, s30  }
0xb9: {  	s0 =	sor.u32 s3, s0;
	s1 =	sshll.u32 s1, $0x11  }
0xba: {  	s0 =	sor.u32 s1, s0  }
0xbb: {  	s0 =	sadd.s32 $0x8F2B, s0  }
0xbc: {  	[sflag:s0] =	ssyncadd.remote.s32 $0x1  }
0xbd: {  	_ =	sfence.sel $0xFFFF  }
0xbe: {  	[dreg:$0x0] =	wrdreg $0xFFFFFFFF;
	(pc) =	sbr.abs _section_cstart, $3  }
0xbf: {  	[dreg:$0x1] =	wrdreg $0xFFFFFFFF  }
0xc0: {  	_ =	task.clear_ibuf [dreg:s6], $0x2FFFF;
	_ =	strace $0x9FFFFFFF  }
0xc1: {  	(tm) =	ssettm $0x7FFFFFFF  }
tec
execute0_lowered:
.L_overlay_start_1:
0x0: {  	(tag) =	ssettag $0x1  }
0x1: {  	s6 =	rddreg [dreg:$0x0]  }
0x2: {  	s0 =	rddreg [dreg:$0x1];
	s2 =	simm.s32 $0x0;
	s3 =	srdreg.scid  }
0x3: {  	s1 =	stileid.u32;
	s12 =	simm.s32 $0xA00;
	s13 =	simm.s32 $0x1400  }
0x4: {  	s14 =	simm.s32 $0xF00;
	s15 =	simm.s32 $0x1900;
	s16 =	simm.s32 $0x1  }
0x5: {  	s17 =	simm.s32 $0x1E00;
	s18 =	simm.s32 $0x80;
	s19 =	simm.s32 $0x400  }
0x6: {  	[smem:$0x7FF] =	sst s2;
	s7 =	sand.u32 $0x1, s3;
	s4 =	sshll.u32 s1, $0x1  }
0x7: {  	s3 =	sadd.s32 $0x7800, s6;
	s5 =	sshrl.u32 s1, $0x2;
	s11 =	sadd.s32 $0x39800, s6  }
0x8: {  	_ =	strace $0x80000047;
	s8 =	sor.u32 s7, s4;
	s4 =	sadd.s32 $0x20800, s6  }
0x9: {  	s9 =	smul.u32 $0x188000, s5;
	s5 =	sadd.s32 $0x1600, s6;
	s10 =	sshll.u32 s8, $0x7  }
.Ltmp0:
0xa: {  	s7 =	ssub.s32 $0x2, s7;
	s10 =	sand.u32 $0x380, s10;
	(pc) =	sbr.rel .LBB2_1-.Ltmp0, $4  }
0xb: {  	s28 =	sshrl.u32 s7, $0x1;
	s6 =	smul.u32 $0x6400, s8;
	s9 =	sor.u32 s9, s10  }
0xc: {  	s29 =	ssub.s32 s7, s28;
	s30 =	sshrl.u32 s9, $0x3;
	s9 =	sadd.s32 $0xC4000, s9  }
0xd: {  	s10 =	simm.s32 $0x2;
	s7 =	sadd.s32 s11, s30;
	s31 =	sshrl.u32 s9, $0x3  }
0xe: {  	v0 =	vimm.f32 $-Inf;
	v1 =	vimm.f32 $0.0e+00;
	s9 =	smax.u32 s29, $0x1;
	s8 =	sadd.s32 s11, s31;
	s11 =	simm.s32 $0x500  }
.LBB2_23:
0xf: {  	s2 =	sadd.s32 $0x1, s2  }
0x10: {  	p0 =	sne.s32 s2, s9  }
.Ltmp1:
0x11: {  	_ = 	snop;
	(pc) =	sbr.rel @!p0 .LBB2_24-.Ltmp1, $4  }
0x12: {  	[hbm4b:s8+s18] =	stream.strided.scatter [tilespmem:s17], [sflag:$0x2], $0x18800, s19, s18, $0x38;
	[tilespmem:$0x1A600] =	vst v63  }
0x13: {  	_ =	swait.ge [sflag:s10], $0x18800  }
0x14: {  	[sflag:s10] =	ssyncset.done $0x0  }
0x15: {  	[sflag:s10] =	ssyncadd.s32 $0xFFFE7800  }
.LBB2_1:
0x16: {  	s20 =	simm.s32 $0x40;
	s21 =	simm.s32 $0x0  }
.LBB2_2:
0x17: {  	p0 =	sne.s32 s20, $0x61FC0;
	[tilespmem:s21+$0x1E00] =	vst v0;
	s21 =	smov.u32 s20;
	s20 =	sadd.s32 $0x40, s20  }
.Ltmp2:
0x18: {  	(pc) =	sbr.rel @p0 .LBB2_2-.Ltmp2, $2  }
0x19: {  	_ =	sdelay $0x2  }
0x1a: {  	s21 =	sshra.s32 s21, $0x2  }
.Ltmp3:
0x1b: {  	(pc) =	sbr.rel .LBB2_4-.Ltmp3, $2  }
0x1c: {  	_ =	sdelay $0x2  }
0x1d: {  	[tilespmem:s21+$0x1E00] =	vst v0;
	s20 =	simm.s32 $0x0;
	s21 =	simm.s32 $0x0  }
.LBB2_11:
0x1e: {  	s21 =	sadd.s32 $0x1, s21  }
0x1f: {  	p0 =	sne.s32 s21, $0x14  }
.Ltmp4:
0x20: {  	_ = 	snop;
	(pc) =	sbr.rel @!p0 .LBB2_12-.Ltmp4, $1  }
0x21: {  	_ =	sdelay $0x3  }
.LBB2_4:
0x22: {  	s22 =	smul.u32 $0x500, s21;
	_ =	sdelay $0x1  }
0x23: {  	s22 =	sadd.s32 s6, s22  }
0x24: {  	s22 =	sshrl.u32 s22, $0x3  }
0x25: {  	s23 =	sadd.s32 s3, s22  }
0x26: {  	[tilespmem:s20], [sflag:$0x2] =	stream.linear.gather [hbm4b:s23+s20], $0x500, $0x38;
	[tilespmem:$0x1A600] =	vst v63  }
0x27: {  	_ =	swait.ge [sflag:s10], $0x500  }
0x28: {  	[sflag:s10] =	ssyncset.done $0x0  }
0x29: {  	s22 =	sadd.s32 s4, s22;
	[sflag:s10] =	ssyncadd.s32 $0xFFFFFB00  }
0x2a: {  	[tilespmem:s11], [sflag:$0x2] =	stream.linear.gather [hbm4b:s22+s20], $0x500, $0x38;
	[tilespmem:$0x1A600] =	vst v63  }
0x2b: {  	_ =	swait.ge [sflag:s10], $0x500  }
0x2c: {  	[sflag:s10] =	ssyncset.done $0x0  }
0x2d: {  	s22 =	simm.s32 $0x0;
	[sflag:s10] =	ssyncadd.s32 $0xFFFFFB00  }
0x2e: {  	s23 =	simm.s32 $0x40;
	v2 =	vld [tilespmem:s22+$0x0]  }
.LBB2_5:
0x2f: {  	p0 =	sne.s32 s23, $0x13C0  }
.Ltmp5:
0x30: {  	_ = 	snop;
	(pc) =	sbr.rel @p0 .LBB2_5-.Ltmp5, $3  }
0x31: {  	_ =	sdelay $0x1  }
0x32: {  	s24 =	sshra.s32 s23, $0x2;
	s23 =	sadd.s32 $0x40, s23;
	[tilespmem:s22+$0xA00] =	vst v2;
	v3 =	vadd.s32 $0xC350, v2  }
0x33: {  	v2 =	vld [tilespmem:s24+$0x0];
	[tilespmem:s22+$0xF00] =	vst v3;
	s22 =	smov.u32 s24  }
0x34: {  	_ =	sdelay $0x3  }
0x35: {  	[tilespmem:s22+$0xA00] =	vst v2;
	v2 =	vadd.s32 $0xC350, v2  }
0x36: {  	[tilespmem:s22+$0xF00] =	vst v2  }
0x37: {  	[tilespmem:s13], [sflag:$0x1] =	stream.indirect.gather [hbm4b:s5+s11], $0x1, s12, s11, $0xb8;
	[tilespmem:$0x1A600] =	vst v63  }
0x38: {  	_ = 	snop  }
0x39: {  	[tilespmem:s15], [sflag:$0x1] =	stream.indirect.gather [hbm4b:s5+s11], $0x1, s14, s11, $0xb8;
	[tilespmem:$0x1A600] =	vst v63  }
0x3a: {  	_ =	swait.ge [sflag:s16], $0x500  }
.Ltmp6:
0x3b: {  	[sflag:s16] =	ssyncset.done $0x0;
	(pc) =	sbr.rel .LBB2_7-.Ltmp6, $4  }
0x3c: {  	[sflag:s16] =	ssyncadd.s32 $0xFFFFFB00  }
0x3d: {  	_ =	swait.ge [sflag:s16], $0x500  }
0x3e: {  	[sflag:s16] =	ssyncset.done $0x0  }
0x3f: {  	s22 =	simm.s32 $0x0;
	[sflag:s16] =	ssyncadd.s32 $0xFFFFFB00  }
.LBB2_10:
0x40: {  	s22 =	sadd.s32 $0x1, s22  }
0x41: {  	p0 =	sne.s32 s22, $0x50  }
.Ltmp7:
0x42: {  	_ = 	snop;
	(pc) =	sbr.rel @!p0 .LBB2_11-.Ltmp7, $1  }
0x43: {  	_ =	sdelay $0x3  }
.LBB2_7:
0x44: {  	s23 =	sshll.u32 s22, $0x4  }
0x45: {  	v4 =	vld [tilespmem:s23+$0x500];
	_ =	sdelay $0x4  }
0x46: {  	vm0 =	vlt.s32 v4, $0xC350  }
0x47: {  	v2 =	vsel vm0, $0x3F800000, v1  }
0x48: {  	(xrf0) =	vmax.scan.msk.f32 $0xffff, v2;
	_ =	sdelay $0x5  }
0x49: {  	v2, _, _ =	vpop (xrf0)  }
0x4a: {  	(v2sf) =	vpush v2, $0xF;
	_ =	sdelay $0xe  }
0x4b: {  	s24 =	spop (v2sf)  }
0x4c: {  	p0 =	sgt.f32 s24, $0.0e+00  }
.Ltmp8:
0x4d: {  	_ = 	snop;
	(pc) =	sbr.rel @!p0 .LBB2_10-.Ltmp8, $3  }
0x4e: {  	_ =	sdelay $0x1  }
0x4f: {  	v3 =	vld [tilespmem:s23+$0x1900]  }
0x50: {  	v2 =	vld [tilespmem:s23+$0x1400]  }
0x51: {  	v4 =	vshll.u32 v4, $0x1  }
0x52: {  	v4 =	vnsel vm0, $0x0, v4;
	_ =	sdelay $0x3  }
0x53: {  	v5 =	vor.u32 $0x1, v4  }
.LBB2_9:
0x54: {  	v6 =	vld.idx.msk [tilespmem:v4+s17+$0x0], vm0;
	_ =	sdelay $0x4  }
0x55: {  	vm1 =	vgt.f32 v2, v6  }
0x56: {  	vm1 =	vmand vm0, vm1;
	_ =	sdelay $0x5  }
0x57: {  	[tilespmem:v4+s17+$0x0] =	vst.idx.msk vm1, v2  }
0x58: {  	v6 =	vld.idx.msk [tilespmem:v5+s17+$0x0], vm0;
	_ =	sdelay $0x4  }
0x59: {  	vm2 =	vgt.f32 v3, v6  }
0x5a: {  	vm2 =	vmand vm0, vm2  }
0x5b: {  	vm0 =	vmor vm1, vm2  }
0x5c: {  	v6 =	vsel vm0, $0x3F800000, v1  }
0x5d: {  	(xrf0) =	vmax.scan.msk.f32 $0xffff, v6;
	_ =	sdelay $0x5  }
0x5e: {  	v6, _, _ =	vpop (xrf0)  }
0x5f: {  	(v2sf) =	vpush v6, $0xF;
	_ =	sdelay $0xe  }
0x60: {  	s23 =	spop (v2sf)  }
0x61: {  	p0 =	sgt.f32 s23, $0.0e+00  }
.Ltmp9:
0x62: {  	_ = 	snop;
	(pc) =	sbr.rel @p0 .LBB2_9-.Ltmp9, $2  }
0x63: {  	_ =	sdelay $0x2  }
0x64: {  	[tilespmem:v5+s17+$0x0] =	vst.idx.msk vm2, v3  }
.Ltmp10:
0x65: {  	_ = 	snop;
	(pc) =	sbr.rel .LBB2_10-.Ltmp10, $1  }
0x66: {  	_ =	sdelay $0x3  }
.LBB2_12:
0x67: {  	[hbm4b:s7+s18] =	stream.strided.scatter [tilespmem:s17], [sflag:$0x2], $0x18800, s19, s18, $0x38;
	[tilespmem:$0x1A600] =	vst v63  }
0x68: {  	_ =	swait.ge [sflag:s10], $0x18800  }
0x69: {  	s20 =	simm.s32 $0x0;
	[sflag:s10] =	ssyncset.done $0x0  }
0x6a: {  	s21 =	simm.s32 $0x40;
	s22 =	simm.s32 $0x0;
	[sflag:s10] =	ssyncadd.s32 $0xFFFE7800  }
.LBB2_13:
0x6b: {  	p0 =	sne.s32 s21, $0x61FC0;
	[tilespmem:s22+$0x1E00] =	vst v0;
	s22 =	smov.u32 s21;
	s21 =	sadd.s32 $0x40, s21  }
.Ltmp11:
0x6c: {  	(pc) =	sbr.rel @p0 .LBB2_13-.Ltmp11, $2  }
0x6d: {  	_ =	sdelay $0x2  }
0x6e: {  	s22 =	sshra.s32 s22, $0x2  }
.Ltmp12:
0x6f: {  	(pc) =	sbr.rel .LBB2_15-.Ltmp12, $2  }
0x70: {  	_ =	sdelay $0x2  }
0x71: {  	[tilespmem:s22+$0x1E00] =	vst v0  }
.LBB2_22:
0x72: {  	s20 =	sadd.s32 $0x1, s20  }
0x73: {  	p0 =	sne.s32 s20, $0x14  }
.Ltmp13:
0x74: {  	_ = 	snop;
	(pc) =	sbr.rel @!p0 .LBB2_23-.Ltmp13, $1  }
0x75: {  	_ =	sdelay $0x3  }
.LBB2_15:
0x76: {  	s21 =	smul.u32 $0x500, s20;
	_ =	sdelay $0x1  }
0x77: {  	s21 =	sadd.s32 s6, s21  }
0x78: {  	s21 =	sshrl.u32 s21, $0x3  }
0x79: {  	s23 =	simm.s32 $0x0;
	s22 =	sadd.s32 s3, s21  }
0x7a: {  	[tilespmem:s23], [sflag:$0x2] =	stream.linear.gather [hbm4b:s22+s23], $0x500, $0x38;
	[tilespmem:$0x1A600] =	vst v63  }
0x7b: {  	_ =	swait.ge [sflag:s10], $0x500  }
0x7c: {  	[sflag:s10] =	ssyncset.done $0x0  }
0x7d: {  	s21 =	sadd.s32 s4, s21;
	[sflag:s10] =	ssyncadd.s32 $0xFFFFFB00  }
0x7e: {  	[tilespmem:s11], [sflag:$0x2] =	stream.linear.gather [hbm4b:s21+s23], $0x500, $0x38;
	[tilespmem:$0x1A600] =	vst v63  }
0x7f: {  	_ =	swait.ge [sflag:s10], $0x500  }
0x80: {  	[sflag:s10] =	ssyncset.done $0x0  }
0x81: {  	s21 =	simm.s32 $0x0;
	[sflag:s10] =	ssyncadd.s32 $0xFFFFFB00  }
0x82: {  	v2 =	vld [tilespmem:s21+$0x0]  }
0x83: {  	s22 =	simm.s32 $0x40  }
.LBB2_16:
0x84: {  	p0 =	sne.s32 s22, $0x13C0  }
.Ltmp14:
0x85: {  	_ = 	snop;
	(pc) =	sbr.rel @p0 .LBB2_16-.Ltmp14, $4  }
0x86: {  	_ = 	snop  }
0x87: {  	s23 =	sshra.s32 s22, $0x2;
	s22 =	sadd.s32 $0x40, s22;
	v3 =	vadd.s32 $0x186A0, v2;
	v4 =	vadd.s32 $0x249F0, v2  }
0x88: {  	v2 =	vld [tilespmem:s23+$0x0];
	[tilespmem:s21+$0xF00] =	vst v4  }
0x89: {  	[tilespmem:s21+$0xA00] =	vst v3;
	s21 =	smov.u32 s23  }
0x8a: {  	_ =	sdelay $0x2  }
0x8b: {  	v3 =	vadd.s32 $0x249F0, v2  }
0x8c: {  	v2 =	vadd.s32 $0x186A0, v2;
	[tilespmem:s21+$0xF00] =	vst v3  }
0x8d: {  	[tilespmem:s21+$0xA00] =	vst v2  }
0x8e: {  	[tilespmem:s13], [sflag:$0x1] =	stream.indirect.gather [hbm4b:s5+s11], $0x1, s12, s11, $0xb8;
	[tilespmem:$0x1A600] =	vst v63  }
0x8f: {  	_ = 	snop  }
0x90: {  	[tilespmem:s15], [sflag:$0x1] =	stream.indirect.gather [hbm4b:s5+s11], $0x1, s14, s11, $0xb8;
	[tilespmem:$0x1A600] =	vst v63  }
0x91: {  	_ =	swait.ge [sflag:s16], $0x500  }
.Ltmp15:
0x92: {  	[sflag:s16] =	ssyncset.done $0x0;
	(pc) =	sbr.rel .LBB2_18-.Ltmp15, $4  }
0x93: {  	[sflag:s16] =	ssyncadd.s32 $0xFFFFFB00  }
0x94: {  	_ =	swait.ge [sflag:s16], $0x500  }
0x95: {  	[sflag:s16] =	ssyncset.done $0x0  }
0x96: {  	s21 =	simm.s32 $0x0;
	[sflag:s16] =	ssyncadd.s32 $0xFFFFFB00  }
.LBB2_21:
0x97: {  	s21 =	sadd.s32 $0x1, s21  }
0x98: {  	p0 =	sne.s32 s21, $0x50  }
.Ltmp16:
0x99: {  	_ = 	snop;
	(pc) =	sbr.rel @!p0 .LBB2_22-.Ltmp16, $1  }
0x9a: {  	_ =	sdelay $0x3  }
.LBB2_18:
0x9b: {  	s22 =	sshll.u32 s21, $0x4  }
0x9c: {  	v4 =	vld [tilespmem:s22+$0x500];
	_ =	sdelay $0x4  }
0x9d: {  	vm0 =	vlt.s32 v4, $0xC350  }
0x9e: {  	v2 =	vsel vm0, $0x3F800000, v1  }
0x9f: {  	(xrf0) =	vmax.scan.msk.f32 $0xffff, v2;
	_ =	sdelay $0x5  }
0xa0: {  	v2, _, _ =	vpop (xrf0)  }
0xa1: {  	(v2sf) =	vpush v2, $0xF;
	_ =	sdelay $0xe  }
0xa2: {  	s23 =	spop (v2sf)  }
0xa3: {  	p0 =	sgt.f32 s23, $0.0e+00  }
.Ltmp17:
0xa4: {  	_ = 	snop;
	(pc) =	sbr.rel @!p0 .LBB2_21-.Ltmp17, $3  }
0xa5: {  	_ =	sdelay $0x1  }
0xa6: {  	v3 =	vld [tilespmem:s22+$0x1900]  }
0xa7: {  	v2 =	vld [tilespmem:s22+$0x1400]  }
0xa8: {  	v4 =	vshll.u32 v4, $0x1  }
0xa9: {  	v4 =	vnsel vm0, $0x0, v4;
	_ =	sdelay $0x3  }
0xaa: {  	v5 =	vor.u32 $0x1, v4  }
.LBB2_20:
0xab: {  	v6 =	vld.idx.msk [tilespmem:v4+s17+$0x0], vm0;
	_ =	sdelay $0x4  }
0xac: {  	vm1 =	vgt.f32 v2, v6  }
0xad: {  	vm1 =	vmand vm0, vm1;
	_ =	sdelay $0x5  }
0xae: {  	[tilespmem:v4+s17+$0x0] =	vst.idx.msk vm1, v2  }
0xaf: {  	v6 =	vld.idx.msk [tilespmem:v5+s17+$0x0], vm0;
	_ =	sdelay $0x4  }
0xb0: {  	vm2 =	vgt.f32 v3, v6  }
0xb1: {  	vm2 =	vmand vm0, vm2  }
0xb2: {  	vm0 =	vmor vm1, vm2  }
0xb3: {  	v6 =	vsel vm0, $0x3F800000, v1  }
0xb4: {  	(xrf0) =	vmax.scan.msk.f32 $0xffff, v6;
	_ =	sdelay $0x5  }
0xb5: {  	v6, _, _ =	vpop (xrf0)  }
0xb6: {  	(v2sf) =	vpush v6, $0xF;
	_ =	sdelay $0xe  }
0xb7: {  	s22 =	spop (v2sf)  }
0xb8: {  	p0 =	sgt.f32 s22, $0.0e+00  }
.Ltmp18:
0xb9: {  	_ = 	snop;
	(pc) =	sbr.rel @p0 .LBB2_20-.Ltmp18, $2  }
0xba: {  	_ =	sdelay $0x2  }
0xbb: {  	[tilespmem:v5+s17+$0x0] =	vst.idx.msk vm2, v3  }
.Ltmp19:
0xbc: {  	_ = 	snop;
	(pc) =	sbr.rel .LBB2_21-.Ltmp19, $1  }
0xbd: {  	_ =	sdelay $0x3  }
.LBB2_24:
0xbe: {  	_ =	sfence.sel $0x180000  }
0xbf: {  	[bflag:$0x0] =	sbarrier.arrive $0xFFFF  }
0xc0: {  	p0 =	sne.s32 s1, $0x0;
	_ =	strace $0x90000047  }
0xc1: {  	s0 =	sadd.s32 @!p0 $0x100000, s0;
	[bflag:$0x2] =	sbarrier.arrive $0xFFFF  }
0xc2: {  	[sflag:s0] =	ssyncadd.tile.s32 @!p0 $0x1;
	_ =	shalt  }
.Lfunc_end2:
_tile_overlayer_lowered:
.L_overlay_start_2:
0xc3: {  	(tag) =	ssettag $0x2  }
0xc4: {  	s0 =	rddreg [dreg:$0x0];
	s2 =	stileid.u32  }
0xc5: {  	s1 =	rddreg [dreg:$0x1];
	p0 =	sne.s32 s2, $0x0  }
0xc6: {  	s3 =	rddreg [dreg:$0x2];
	[bflag:$0x3] =	sbarrier.arrive $0xFFFF;
	s2 =	simm.s32 @!p0 $0x1C02  }
0xc7: {  	[timem:s3], [sflag:s2] =	dma.local @!p0 [hbm:s0], s1  }
0xc8: {  	s0 =	simm.s32 @!p0 $0x2  }
0xc9: {  	_ =	swait.ge @!p0 [sflag:s0], s1  }
0xca: {  	s1 =	ssub.s32 @!p0 $0x0, s1;
	[sflag:s0] =	ssyncset.done @!p0 $0x0  }
0xcb: {  	[sflag:s0] =	ssyncadd.s32 @!p0 s1  }
0xcc: {  	[bflag:$0x3] =	sbarrier.arrive $0xFFFF  }
0xcd: {  	_ =	shalt  }

</sc_bundles>
